<compile_context>
chip_gen: v7x
topology: tpu7x:2x2x1
jax: 0.10.2.dev20260603
libtpu: 0.0.44.dev20260713+nightly
codegen_flags: <defaults>
</compile_context>

<pallas_src>
import functools

import numpy as np

import jax
import jax.numpy as jnp
from jax import lax
from jax.experimental import pallas as pl
from jax.experimental.pallas import tpu as pltpu
from jax.experimental.pallas import tpu_sc as plsc

N = 65536
L = 16
NW = 16
E = N // NW
ITERS = E // L
U = 8

TBL_STEP = 64.0
TBL_MAX_IDX = 1087.0
TBL_PAD = 1152

_G_TABLE = np.log1p(
    np.exp(-np.arange(TBL_PAD, dtype=np.float64) / TBL_STEP)
).astype(np.float32)

_mesh = plsc.VectorSubcoreMesh(
    core_axis_name="c", subcore_axis_name="s", num_cores=1)


@functools.partial(
    pl.kernel,
    out_type=(
        jax.ShapeDtypeStruct((L,), jnp.float32),
        jax.ShapeDtypeStruct((NW, 2, L), jnp.float32),
    ),
    mesh=_mesh,
    scratch_types=[
        pltpu.VMEM((E,), jnp.float32),
        pltpu.VMEM((E,), jnp.float32),
        pltpu.VMEM((E,), jnp.int32),
        pltpu.VMEM((TBL_PAD,), jnp.float32),
        pltpu.VMEM((2, L), jnp.float32),
        pltpu.VMEM((NW, 2, L), jnp.float32),
        pltpu.VMEM((L,), jnp.float32),
        pltpu.SemaphoreType.DMA,
        pltpu.SemaphoreType.DMA,
        pltpu.SemaphoreType.DMA,
        pltpu.SemaphoreType.DMA,
    ],
    compiler_params=pltpu.CompilerParams(needs_layout_passes=False),
)
def _loss_kernel(a_hbm, b_hbm, lab_hbm, tbl_hbm, out_hbm, parts_hbm, a_v,
                 b_v, lab_v, tbl_v, part_v, all_v, res_v, sem_a, sem_b,
                 sem_l, sem_t):
    sid = lax.axis_index("s")
    cp_t = pltpu.async_copy(tbl_hbm, tbl_v, sem_t)
    cp_a = pltpu.async_copy(a_hbm.at[pl.ds(sid * E, E)], a_v, sem_a)
    cp_b = pltpu.async_copy(b_hbm.at[pl.ds(sid * E, E)], b_v, sem_b)
    cp_l = pltpu.async_copy(lab_hbm.at[pl.ds(sid * E, E)], lab_v, sem_l)
    cp_t.wait()
    cp_a.wait()
    cp_b.wait()
    cp_l.wait()

    def one(j, acc_l, acc_c):
        av = a_v[pl.ds(j * L, L)]
        bv = b_v[pl.ds(j * L, L)]
        lab = lab_v[pl.ds(j * L, L)]
        ev = bv - av
        t = jnp.where(lab == 1, -ev, ev)
        s = jnp.minimum(jnp.abs(t) * TBL_STEP, TBL_MAX_IDX)
        i = s.astype(jnp.int32)
        f = s - i.astype(jnp.float32)
        g0 = plsc.load_gather(tbl_v, [i])
        g1 = plsc.load_gather(tbl_v, [i + 1])
        ce = jnp.maximum(t, 0.0) + g0 + f * (g1 - g0)
        mf = jnp.where(lab != -1, 1.0, 0.0)
        return acc_l + ce * mf, acc_c + mf

    def body(trip, carry):
        accs = list(carry)
        j0 = trip * U
        for k in range(U):
            accs[2 * k], accs[2 * k + 1] = one(
                j0 + k, accs[2 * k], accs[2 * k + 1])
        return tuple(accs)

    zero = jnp.zeros((L,), jnp.float32)
    accs = lax.fori_loop(0, ITERS // U, body, (zero,) * (2 * U))
    acc_l = accs[0]
    acc_c = accs[1]
    for k in range(1, U):
        acc_l = acc_l + accs[2 * k]
        acc_c = acc_c + accs[2 * k + 1]

    part_v[0, :] = acc_l
    part_v[1, :] = acc_c
    pltpu.sync_copy(part_v, parts_hbm.at[sid])
    plsc.subcore_barrier()

    @pl.when(sid == 0)
    def _():
        pltpu.sync_copy(parts_hbm, all_v)
        tl = all_v[0, 0, :]
        tc = all_v[0, 1, :]
        for s in range(1, NW):
            tl = tl + all_v[s, 0, :]
            tc = tc + all_v[s, 1, :]
        s_l = jnp.full((L,), jnp.sum(tl), jnp.float32)
        d = jnp.maximum(jnp.full((L,), jnp.sum(tc), jnp.float32), 1.0)
        r = 1.0 / d
        r = r * (2.0 - d * r)
        res_v[...] = s_l * r
        pltpu.sync_copy(res_v, out_hbm)


def kernel(out_cls, labels):
    a = out_cls[:, 0]
    b = out_cls[:, 1]
    lab = labels.reshape(-1).astype(jnp.int32)
    out, _ = _loss_kernel(a, b, lab, jnp.asarray(_G_TABLE))
    return out[0]

# --- scband reference (transcript-rebuilt; emitter-appended) ---
"""Pipeline reference for scband-loss-cls-41901700939963 (READ-ONLY COPY).

The authoritative reference and input builder live on the scoring server;
editing this copy changes nothing except your own understanding.
"""

import jax, jax.numpy as jnp
import numpy as np

N = 65536

def setup_inputs(seed: int = 0) -> dict:
    key = jax.random.key(seed)
    k1, k2 = jax.random.split(key)
    out_cls = jax.random.normal(k1, (N, 2), dtype=jnp.float32)
    # labels in {-1, 0, 1}; -1 entries are ignored by the loss (matches torch ne(-1) masking)
    labels = jax.random.randint(k2, (N,), -1, 2, dtype=jnp.int64)
    return {"out_cls": out_cls, "labels": labels}

def reference(out_cls, labels):
    logits = out_cls.reshape(-1, 2)
    lab = labels.reshape(-1)
    mask = (lab != -1)
    # Equivalent to index_select of kept rows followed by mean CrossEntropyLoss:
    # compute per-element CE, zero out ignored entries, divide by kept count.
    lab_safe = jnp.where(mask, lab, 0)
    logZ = jax.nn.logsumexp(logits, axis=-1)
    ll = jnp.take_along_axis(logits, lab_safe[:, None], axis=1)[:, 0]
    ce = logZ - ll
    kept = jnp.maximum(jnp.sum(mask.astype(jnp.float32)), 1.0)
    loss = jnp.sum(ce * mask.astype(jnp.float32)) / kept
    return loss

if __name__ == "__main__":
    import jax
    _d = setup_inputs()
    print(jax.jit(kernel)(*tuple(_d.values())))

</pallas_src>

<mosaic_0001>
#map = affine_map<(d0, d1) -> (0)>
#map1 = affine_map<(d0, d1) -> (0, 0, 0)>
module attributes {stable_mosaic.version = 14 : i64} {
  func.func @_loss_kernel(%arg0: i32, %arg1: i32, %arg2: memref<65536xf32, #tpu.memory_space<hbm>>, %arg3: memref<65536xf32, #tpu.memory_space<hbm>>, %arg4: memref<65536xi32, #tpu.memory_space<hbm>>, %arg5: memref<1152xf32, #tpu.memory_space<hbm>>, %arg6: memref<16xf32, #tpu.memory_space<hbm>>, %arg7: memref<16x2x16xf32, #tpu.memory_space<hbm>>, %arg8: memref<4096xf32, #tpu.memory_space<vmem>>, %arg9: memref<4096xf32, #tpu.memory_space<vmem>>, %arg10: memref<4096xi32, #tpu.memory_space<vmem>>, %arg11: memref<1152xf32, #tpu.memory_space<vmem>>, %arg12: memref<2x16xf32, #tpu.memory_space<vmem>>, %arg13: memref<16x2x16xf32, #tpu.memory_space<vmem>>, %arg14: memref<16xf32, #tpu.memory_space<vmem>>, %arg15: memref<!tpu.dma_semaphore, #tpu.memory_space<semaphore_mem>>, %arg16: memref<!tpu.dma_semaphore, #tpu.memory_space<semaphore_mem>>, %arg17: memref<!tpu.dma_semaphore, #tpu.memory_space<semaphore_mem>>, %arg18: memref<!tpu.dma_semaphore, #tpu.memory_space<semaphore_mem>>) attributes {dimension_semantics = [#tpu.dimension_semantics<core_parallel>, #tpu.dimension_semantics<subcore_parallel>], iteration_bounds = array<i64: 1, 16>, scalar_prefetch = 0 : i64, scratch_operands = 11 : i64, tpu.core_type = #tpu.core_type<sc_vector_subcore>, window_params = [{transform_indices = #map}, {transform_indices = #map}, {transform_indices = #map}, {transform_indices = #map}, {transform_indices = #map}, {transform_indices = #map1}]} {
    tpu.enqueue_dma source(%arg5 : memref<1152xf32, #tpu.memory_space<hbm>>) target(%arg11 : memref<1152xf32, #tpu.memory_space<vmem>>) target_semaphore(%arg18 : memref<!tpu.dma_semaphore, #tpu.memory_space<semaphore_mem>>)
    %mul3A = arith.constant 4096 : i32
    %mul3A_0 = arith.muli %arg1, %mul3A : i32
    %dma_start3A = tpu.memref_slice %arg2[%mul3A_0] : memref<65536xf32, #tpu.memory_space<hbm>> -> memref<4096xf32, #tpu.memory_space<hbm>>
    %dma_start3A_1 = tpu.memref_slice %arg2[%mul3A_0] : memref<65536xf32, #tpu.memory_space<hbm>> -> memref<4096xf32, #tpu.memory_space<hbm>>
    tpu.enqueue_dma source(%dma_start3A_1 : memref<4096xf32, #tpu.memory_space<hbm>>) target(%arg8 : memref<4096xf32, #tpu.memory_space<vmem>>) target_semaphore(%arg15 : memref<!tpu.dma_semaphore, #tpu.memory_space<semaphore_mem>>)
    %mul3A_2 = arith.constant 4096 : i32
    %mul3A_3 = arith.muli %arg1, %mul3A_2 : i32
    %dma_start3A_4 = tpu.memref_slice %arg3[%mul3A_3] : memref<65536xf32, #tpu.memory_space<hbm>> -> memref<4096xf32, #tpu.memory_space<hbm>>
    %dma_start3A_5 = tpu.memref_slice %arg3[%mul3A_3] : memref<65536xf32, #tpu.memory_space<hbm>> -> memref<4096xf32, #tpu.memory_space<hbm>>
    tpu.enqueue_dma source(%dma_start3A_5 : memref<4096xf32, #tpu.memory_space<hbm>>) target(%arg9 : memref<4096xf32, #tpu.memory_space<vmem>>) target_semaphore(%arg16 : memref<!tpu.dma_semaphore, #tpu.memory_space<semaphore_mem>>)
    %mul3A_6 = arith.constant 4096 : i32
    %mul3A_7 = arith.muli %arg1, %mul3A_6 : i32
    %dma_start3A_8 = tpu.memref_slice %arg4[%mul3A_7] : memref<65536xi32, #tpu.memory_space<hbm>> -> memref<4096xi32, #tpu.memory_space<hbm>>
    %dma_start3A_9 = tpu.memref_slice %arg4[%mul3A_7] : memref<65536xi32, #tpu.memory_space<hbm>> -> memref<4096xi32, #tpu.memory_space<hbm>>
    tpu.enqueue_dma source(%dma_start3A_9 : memref<4096xi32, #tpu.memory_space<hbm>>) target(%arg10 : memref<4096xi32, #tpu.memory_space<vmem>>) target_semaphore(%arg17 : memref<!tpu.dma_semaphore, #tpu.memory_space<semaphore_mem>>)
    tpu.wait_dma2 semaphore(%arg18 : memref<!tpu.dma_semaphore, #tpu.memory_space<semaphore_mem>>) src(%arg5 : memref<1152xf32, #tpu.memory_space<hbm>>) dst(%arg11 : memref<1152xf32, #tpu.memory_space<vmem>>)
    %dma_wait3A = tpu.memref_slice %arg2[%mul3A_0] : memref<65536xf32, #tpu.memory_space<hbm>> -> memref<4096xf32, #tpu.memory_space<hbm>>
    %dma_wait3A_10 = tpu.memref_slice %arg2[%mul3A_0] : memref<65536xf32, #tpu.memory_space<hbm>> -> memref<4096xf32, #tpu.memory_space<hbm>>
    tpu.wait_dma2 semaphore(%arg15 : memref<!tpu.dma_semaphore, #tpu.memory_space<semaphore_mem>>) src(%dma_wait3A_10 : memref<4096xf32, #tpu.memory_space<hbm>>) dst(%arg8 : memref<4096xf32, #tpu.memory_space<vmem>>)
    %dma_wait3A_11 = tpu.memref_slice %arg3[%mul3A_3] : memref<65536xf32, #tpu.memory_space<hbm>> -> memref<4096xf32, #tpu.memory_space<hbm>>
    %dma_wait3A_12 = tpu.memref_slice %arg3[%mul3A_3] : memref<65536xf32, #tpu.memory_space<hbm>> -> memref<4096xf32, #tpu.memory_space<hbm>>
    tpu.wait_dma2 semaphore(%arg16 : memref<!tpu.dma_semaphore, #tpu.memory_space<semaphore_mem>>) src(%dma_wait3A_12 : memref<4096xf32, #tpu.memory_space<hbm>>) dst(%arg9 : memref<4096xf32, #tpu.memory_space<vmem>>)
    %dma_wait3A_13 = tpu.memref_slice %arg4[%mul3A_7] : memref<65536xi32, #tpu.memory_space<hbm>> -> memref<4096xi32, #tpu.memory_space<hbm>>
    %dma_wait3A_14 = tpu.memref_slice %arg4[%mul3A_7] : memref<65536xi32, #tpu.memory_space<hbm>> -> memref<4096xi32, #tpu.memory_space<hbm>>
    tpu.wait_dma2 semaphore(%arg17 : memref<!tpu.dma_semaphore, #tpu.memory_space<semaphore_mem>>) src(%dma_wait3A_14 : memref<4096xi32, #tpu.memory_space<hbm>>) dst(%arg10 : memref<4096xi32, #tpu.memory_space<vmem>>)
    %broadcast_in_dim3A = arith.constant 0.000000e+00 : f32
    %broadcast_in_dim3A_15 = vector.broadcast %broadcast_in_dim3A : f32 to vector<16xf32>
    %scan3A = arith.constant 0 : i32
    %scan3A_16 = arith.constant 32 : i32
    %scan3A_17 = arith.addi %scan3A, %scan3A_16 : i32
    %scan3A_18 = arith.constant 1 : i32
    %scan3A_19:16 = scf.for %scan3A_43 = %scan3A to %scan3A_17 step %scan3A_18 iter_args(%scan3A_44 = %broadcast_in_dim3A_15, %scan3A_45 = %broadcast_in_dim3A_15, %scan3A_46 = %broadcast_in_dim3A_15, %scan3A_47 = %broadcast_in_dim3A_15, %scan3A_48 = %broadcast_in_dim3A_15, %scan3A_49 = %broadcast_in_dim3A_15, %scan3A_50 = %broadcast_in_dim3A_15, %scan3A_51 = %broadcast_in_dim3A_15, %scan3A_52 = %broadcast_in_dim3A_15, %scan3A_53 = %broadcast_in_dim3A_15, %scan3A_54 = %broadcast_in_dim3A_15, %scan3A_55 = %broadcast_in_dim3A_15, %scan3A_56 = %broadcast_in_dim3A_15, %scan3A_57 = %broadcast_in_dim3A_15, %scan3A_58 = %broadcast_in_dim3A_15, %scan3A_59 = %broadcast_in_dim3A_15) -> (vector<16xf32>, vector<16xf32>, vector<16xf32>, vector<16xf32>, vector<16xf32>, vector<16xf32>, vector<16xf32>, vector<16xf32>, vector<16xf32>, vector<16xf32>, vector<16xf32>, vector<16xf32>, vector<16xf32>, vector<16xf32>, vector<16xf32>, vector<16xf32>)  : i32 {
      %mul3A_60 = arith.constant 8 : i32
      %mul3A_61 = arith.muli %scan3A_43, %mul3A_60 : i32
      %add3A_62 = arith.constant 0 : i32
      %add3A_63 = arith.addi %mul3A_61, %add3A_62 : i32
      %mul3A_64 = arith.constant 16 : i32
      %mul3A_65 = arith.muli %add3A_63, %mul3A_64 : i32
      %get3A = arith.index_cast %mul3A_65 : i32 to index
      %get3A_66 = tpu.vector_load %arg8[%get3A] {strides = array<i32>} : memref<4096xf32, #tpu.memory_space<vmem>>, vector<16xf32>,
      %mul3A_67 = arith.constant 16 : i32
      %mul3A_68 = arith.muli %add3A_63, %mul3A_67 : i32
      %get3A_69 = arith.index_cast %mul3A_68 : i32 to index
      %get3A_70 = tpu.vector_load %arg9[%get3A_69] {strides = array<i32>} : memref<4096xf32, #tpu.memory_space<vmem>>, vector<16xf32>,
      %mul3A_71 = arith.constant 16 : i32
      %mul3A_72 = arith.muli %add3A_63, %mul3A_71 : i32
      %get3A_73 = arith.index_cast %mul3A_72 : i32 to index
      %get3A_74 = tpu.vector_load %arg10[%get3A_73] {strides = array<i32>} : memref<4096xi32, #tpu.memory_space<vmem>>, vector<16xi32>,
      %sub3A = arith.subf %get3A_70, %get3A_66 : vector<16xf32>
      %eq3A_75 = arith.constant 1 : i32
      %eq3A_76 = vector.broadcast %eq3A_75 : i32 to vector<16xi32>
      %eq3A_77 = arith.cmpi eq, %get3A_74, %eq3A_76 : vector<16xi32>
      %neg3A = arith.constant 0.000000e+00 : f32
      %neg3A_78 = vector.broadcast %neg3A : f32 to vector<16xf32>
      %neg3A_79 = arith.subf %neg3A_78, %sub3A : vector<16xf32>
      %select_n3A = arith.select %eq3A_77, %neg3A_79, %sub3A : vector<16xi1>, vector<16xf32>
      %abs3A = math.absf %select_n3A : vector<16xf32>
      %mul3A_80 = arith.constant 6.400000e+01 : f32
      %mul3A_81 = vector.broadcast %mul3A_80 : f32 to vector<16xf32>
      %mul3A_82 = arith.mulf %abs3A, %mul3A_81 : vector<16xf32>
      %min3A = arith.constant 1.087000e+03 : f32
      %min3A_83 = vector.broadcast %min3A : f32 to vector<16xf32>
      %min3A_84 = arith.minimumf %mul3A_82, %min3A_83 : vector<16xf32>
      %convert_element_type3A_85 = arith.fptosi %min3A_84 : vector<16xf32> to vector<16xi32>
      %convert_element_type3A_86 = arith.sitofp %convert_element_type3A_85 : vector<16xi32> to vector<16xf32>
      %sub3A_87 = arith.subf %min3A_84, %convert_element_type3A_86 : vector<16xf32>
      %gather3A = tpu.vector_load_idx %arg11[%convert_element_type3A_85] : memref<1152xf32, #tpu.memory_space<vmem>>[vector<16xi32>], vector<16xf32>,
      %add3A_88 = arith.constant 1 : i32
      %add3A_89 = vector.broadcast %add3A_88 : i32 to vector<16xi32>
      %add3A_90 = arith.addi %convert_element_type3A_85, %add3A_89 : vector<16xi32>
      %gather3A_91 = tpu.vector_load_idx %arg11[%add3A_90] : memref<1152xf32, #tpu.memory_space<vmem>>[vector<16xi32>], vector<16xf32>,
      %max3A = arith.constant 0.000000e+00 : f32
      %max3A_92 = vector.broadcast %max3A : f32 to vector<16xf32>
      %max3A_93 = arith.maximumf %select_n3A, %max3A_92 : vector<16xf32>
      %add3A_94 = arith.addf %max3A_93, %gather3A : vector<16xf32>
      %sub3A_95 = arith.subf %gather3A_91, %gather3A : vector<16xf32>
      %mul3A_96 = arith.mulf %sub3A_87, %sub3A_95 : vector<16xf32>
      %add3A_97 = arith.addf %add3A_94, %mul3A_96 : vector<16xf32>
      %ne3A = arith.constant -1 : i32
      %ne3A_98 = vector.broadcast %ne3A : i32 to vector<16xi32>
      %ne3A_99 = arith.cmpi ne, %get3A_74, %ne3A_98 : vector<16xi32>
      %jit3A = arith.constant 1.000000e+00 : f32
      %jit3A_100 = arith.constant 0.000000e+00 : f32
      %broadcast_in_dim3A_101 = vector.broadcast %jit3A : f32 to vector<16xf32>
      %broadcast_in_dim3A_102 = vector.broadcast %jit3A_100 : f32 to vector<16xf32>
      %select_n3A_103 = arith.select %ne3A_99, %broadcast_in_dim3A_101, %broadcast_in_dim3A_102 : vector<16xi1>, vector<16xf32>
      %mul3A_104 = arith.mulf %add3A_97, %select_n3A_103 : vector<16xf32>
      %add3A_105 = arith.addf %scan3A_44, %mul3A_104 : vector<16xf32>
      %add3A_106 = arith.addf %scan3A_45, %select_n3A_103 : vector<16xf32>
      %add3A_107 = arith.constant 1 : i32
      %add3A_108 = arith.addi %mul3A_61, %add3A_107 : i32
      %mul3A_109 = arith.constant 16 : i32
      %mul3A_110 = arith.muli %add3A_108, %mul3A_109 : i32
      %get3A_111 = arith.index_cast %mul3A_110 : i32 to index
      %get3A_112 = tpu.vector_load %arg8[%get3A_111] {strides = array<i32>} : memref<4096xf32, #tpu.memory_space<vmem>>, vector<16xf32>,
      %mul3A_113 = arith.constant 16 : i32
      %mul3A_114 = arith.muli %add3A_108, %mul3A_113 : i32
      %get3A_115 = arith.index_cast %mul3A_114 : i32 to index
      %get3A_116 = tpu.vector_load %arg9[%get3A_115] {strides = array<i32>} : memref<4096xf32, #tpu.memory_space<vmem>>, vector<16xf32>,
      %mul3A_117 = arith.constant 16 : i32
      %mul3A_118 = arith.muli %add3A_108, %mul3A_117 : i32
      %get3A_119 = arith.index_cast %mul3A_118 : i32 to index
      %get3A_120 = tpu.vector_load %arg10[%get3A_119] {strides = array<i32>} : memref<4096xi32, #tpu.memory_space<vmem>>, vector<16xi32>,
      %sub3A_121 = arith.subf %get3A_116, %get3A_112 : vector<16xf32>
      %eq3A_122 = arith.constant 1 : i32
      %eq3A_123 = vector.broadcast %eq3A_122 : i32 to vector<16xi32>
      %eq3A_124 = arith.cmpi eq, %get3A_120, %eq3A_123 : vector<16xi32>
      %neg3A_125 = arith.constant 0.000000e+00 : f32
      %neg3A_126 = vector.broadcast %neg3A_125 : f32 to vector<16xf32>
      %neg3A_127 = arith.subf %neg3A_126, %sub3A_121 : vector<16xf32>
      %select_n3A_128 = arith.select %eq3A_124, %neg3A_127, %sub3A_121 : vector<16xi1>, vector<16xf32>
      %abs3A_129 = math.absf %select_n3A_128 : vector<16xf32>
      %mul3A_130 = arith.constant 6.400000e+01 : f32
      %mul3A_131 = vector.broadcast %mul3A_130 : f32 to vector<16xf32>
      %mul3A_132 = arith.mulf %abs3A_129, %mul3A_131 : vector<16xf32>
      %min3A_133 = arith.constant 1.087000e+03 : f32
      %min3A_134 = vector.broadcast %min3A_133 : f32 to vector<16xf32>
      %min3A_135 = arith.minimumf %mul3A_132, %min3A_134 : vector<16xf32>
      %convert_element_type3A_136 = arith.fptosi %min3A_135 : vector<16xf32> to vector<16xi32>
      %convert_element_type3A_137 = arith.sitofp %convert_element_type3A_136 : vector<16xi32> to vector<16xf32>
      %sub3A_138 = arith.subf %min3A_135, %convert_element_type3A_137 : vector<16xf32>
      %gather3A_139 = tpu.vector_load_idx %arg11[%convert_element_type3A_136] : memref<1152xf32, #tpu.memory_space<vmem>>[vector<16xi32>], vector<16xf32>,
      %add3A_140 = arith.constant 1 : i32
      %add3A_141 = vector.broadcast %add3A_140 : i32 to vector<16xi32>
      %add3A_142 = arith.addi %convert_element_type3A_136, %add3A_141 : vector<16xi32>
      %gather3A_143 = tpu.vector_load_idx %arg11[%add3A_142] : memref<1152xf32, #tpu.memory_space<vmem>>[vector<16xi32>], vector<16xf32>,
      %max3A_144 = arith.constant 0.000000e+00 : f32
      %max3A_145 = vector.broadcast %max3A_144 : f32 to vector<16xf32>
      %max3A_146 = arith.maximumf %select_n3A_128, %max3A_145 : vector<16xf32>
      %add3A_147 = arith.addf %max3A_146, %gather3A_139 : vector<16xf32>
      %sub3A_148 = arith.subf %gather3A_143, %gather3A_139 : vector<16xf32>
      %mul3A_149 = arith.mulf %sub3A_138, %sub3A_148 : vector<16xf32>
      %add3A_150 = arith.addf %add3A_147, %mul3A_149 : vector<16xf32>
      %ne3A_151 = arith.constant -1 : i32
      %ne3A_152 = vector.broadcast %ne3A_151 : i32 to vector<16xi32>
      %ne3A_153 = arith.cmpi ne, %get3A_120, %ne3A_152 : vector<16xi32>
      %jit3A_154 = arith.constant 1.000000e+00 : f32
      %jit3A_155 = arith.constant 0.000000e+00 : f32
      %broadcast_in_dim3A_156 = vector.broadcast %jit3A_154 : f32 to vector<16xf32>
      %broadcast_in_dim3A_157 = vector.broadcast %jit3A_155 : f32 to vector<16xf32>
      %select_n3A_158 = arith.select %ne3A_153, %broadcast_in_dim3A_156, %broadcast_in_dim3A_157 : vector<16xi1>, vector<16xf32>
      %mul3A_159 = arith.mulf %add3A_150, %select_n3A_158 : vector<16xf32>
      %add3A_160 = arith.addf %scan3A_46, %mul3A_159 : vector<16xf32>
      %add3A_161 = arith.addf %scan3A_47, %select_n3A_158 : vector<16xf32>
      %add3A_162 = arith.constant 2 : i32
      %add3A_163 = arith.addi %mul3A_61, %add3A_162 : i32
      %mul3A_164 = arith.constant 16 : i32
      %mul3A_165 = arith.muli %add3A_163, %mul3A_164 : i32
      %get3A_166 = arith.index_cast %mul3A_165 : i32 to index
      %get3A_167 = tpu.vector_load %arg8[%get3A_166] {strides = array<i32>} : memref<4096xf32, #tpu.memory_space<vmem>>, vector<16xf32>,
      %mul3A_168 = arith.constant 16 : i32
      %mul3A_169 = arith.muli %add3A_163, %mul3A_168 : i32
      %get3A_170 = arith.index_cast %mul3A_169 : i32 to index
      %get3A_171 = tpu.vector_load %arg9[%get3A_170] {strides = array<i32>} : memref<4096xf32, #tpu.memory_space<vmem>>, vector<16xf32>,
      %mul3A_172 = arith.constant 16 : i32
      %mul3A_173 = arith.muli %add3A_163, %mul3A_172 : i32
      %get3A_174 = arith.index_cast %mul3A_173 : i32 to index
      %get3A_175 = tpu.vector_load %arg10[%get3A_174] {strides = array<i32>} : memref<4096xi32, #tpu.memory_space<vmem>>, vector<16xi32>,
      %sub3A_176 = arith.subf %get3A_171, %get3A_167 : vector<16xf32>
      %eq3A_177 = arith.constant 1 : i32
      %eq3A_178 = vector.broadcast %eq3A_177 : i32 to vector<16xi32>
      %eq3A_179 = arith.cmpi eq, %get3A_175, %eq3A_178 : vector<16xi32>
      %neg3A_180 = arith.constant 0.000000e+00 : f32
      %neg3A_181 = vector.broadcast %neg3A_180 : f32 to vector<16xf32>
      %neg3A_182 = arith.subf %neg3A_181, %sub3A_176 : vector<16xf32>
      %select_n3A_183 = arith.select %eq3A_179, %neg3A_182, %sub3A_176 : vector<16xi1>, vector<16xf32>
      %abs3A_184 = math.absf %select_n3A_183 : vector<16xf32>
      %mul3A_185 = arith.constant 6.400000e+01 : f32
      %mul3A_186 = vector.broadcast %mul3A_185 : f32 to vector<16xf32>
      %mul3A_187 = arith.mulf %abs3A_184, %mul3A_186 : vector<16xf32>
      %min3A_188 = arith.constant 1.087000e+03 : f32
      %min3A_189 = vector.broadcast %min3A_188 : f32 to vector<16xf32>
      %min3A_190 = arith.minimumf %mul3A_187, %min3A_189 : vector<16xf32>
      %convert_element_type3A_191 = arith.fptosi %min3A_190 : vector<16xf32> to vector<16xi32>
      %convert_element_type3A_192 = arith.sitofp %convert_element_type3A_191 : vector<16xi32> to vector<16xf32>
      %sub3A_193 = arith.subf %min3A_190, %convert_element_type3A_192 : vector<16xf32>
      %gather3A_194 = tpu.vector_load_idx %arg11[%convert_element_type3A_191] : memref<1152xf32, #tpu.memory_space<vmem>>[vector<16xi32>], vector<16xf32>,
      %add3A_195 = arith.constant 1 : i32
      %add3A_196 = vector.broadcast %add3A_195 : i32 to vector<16xi32>
      %add3A_197 = arith.addi %convert_element_type3A_191, %add3A_196 : vector<16xi32>
      %gather3A_198 = tpu.vector_load_idx %arg11[%add3A_197] : memref<1152xf32, #tpu.memory_space<vmem>>[vector<16xi32>], vector<16xf32>,
      %max3A_199 = arith.constant 0.000000e+00 : f32
      %max3A_200 = vector.broadcast %max3A_199 : f32 to vector<16xf32>
      %max3A_201 = arith.maximumf %select_n3A_183, %max3A_200 : vector<16xf32>
      %add3A_202 = arith.addf %max3A_201, %gather3A_194 : vector<16xf32>
      %sub3A_203 = arith.subf %gather3A_198, %gather3A_194 : vector<16xf32>
      %mul3A_204 = arith.mulf %sub3A_193, %sub3A_203 : vector<16xf32>
      %add3A_205 = arith.addf %add3A_202, %mul3A_204 : vector<16xf32>
      %ne3A_206 = arith.constant -1 : i32
      %ne3A_207 = vector.broadcast %ne3A_206 : i32 to vector<16xi32>
      %ne3A_208 = arith.cmpi ne, %get3A_175, %ne3A_207 : vector<16xi32>
      %jit3A_209 = arith.constant 1.000000e+00 : f32
      %jit3A_210 = arith.constant 0.000000e+00 : f32
      %broadcast_in_dim3A_211 = vector.broadcast %jit3A_209 : f32 to vector<16xf32>
      %broadcast_in_dim3A_212 = vector.broadcast %jit3A_210 : f32 to vector<16xf32>
      %select_n3A_213 = arith.select %ne3A_208, %broadcast_in_dim3A_211, %broadcast_in_dim3A_212 : vector<16xi1>, vector<16xf32>
      %mul3A_214 = arith.mulf %add3A_205, %select_n3A_213 : vector<16xf32>
      %add3A_215 = arith.addf %scan3A_48, %mul3A_214 : vector<16xf32>
      %add3A_216 = arith.addf %scan3A_49, %select_n3A_213 : vector<16xf32>
      %add3A_217 = arith.constant 3 : i32
      %add3A_218 = arith.addi %mul3A_61, %add3A_217 : i32
      %mul3A_219 = arith.constant 16 : i32
      %mul3A_220 = arith.muli %add3A_218, %mul3A_219 : i32
      %get3A_221 = arith.index_cast %mul3A_220 : i32 to index
      %get3A_222 = tpu.vector_load %arg8[%get3A_221] {strides = array<i32>} : memref<4096xf32, #tpu.memory_space<vmem>>, vector<16xf32>,
      %mul3A_223 = arith.constant 16 : i32
      %mul3A_224 = arith.muli %add3A_218, %mul3A_223 : i32
      %get3A_225 = arith.index_cast %mul3A_224 : i32 to index
      %get3A_226 = tpu.vector_load %arg9[%get3A_225] {strides = array<i32>} : memref<4096xf32, #tpu.memory_space<vmem>>, vector<16xf32>,
      %mul3A_227 = arith.constant 16 : i32
      %mul3A_228 = arith.muli %add3A_218, %mul3A_227 : i32
      %get3A_229 = arith.index_cast %mul3A_228 : i32 to index
      %get3A_230 = tpu.vector_load %arg10[%get3A_229] {strides = array<i32>} : memref<4096xi32, #tpu.memory_space<vmem>>, vector<16xi32>,
      %sub3A_231 = arith.subf %get3A_226, %get3A_222 : vector<16xf32>
      %eq3A_232 = arith.constant 1 : i32
      %eq3A_233 = vector.broadcast %eq3A_232 : i32 to vector<16xi32>
      %eq3A_234 = arith.cmpi eq, %get3A_230, %eq3A_233 : vector<16xi32>
      %neg3A_235 = arith.constant 0.000000e+00 : f32
      %neg3A_236 = vector.broadcast %neg3A_235 : f32 to vector<16xf32>
      %neg3A_237 = arith.subf %neg3A_236, %sub3A_231 : vector<16xf32>
      %select_n3A_238 = arith.select %eq3A_234, %neg3A_237, %sub3A_231 : vector<16xi1>, vector<16xf32>
      %abs3A_239 = math.absf %select_n3A_238 : vector<16xf32>
      %mul3A_240 = arith.constant 6.400000e+01 : f32
      %mul3A_241 = vector.broadcast %mul3A_240 : f32 to vector<16xf32>
      %mul3A_242 = arith.mulf %abs3A_239, %mul3A_241 : vector<16xf32>
      %min3A_243 = arith.constant 1.087000e+03 : f32
      %min3A_244 = vector.broadcast %min3A_243 : f32 to vector<16xf32>
      %min3A_245 = arith.minimumf %mul3A_242, %min3A_244 : vector<16xf32>
      %convert_element_type3A_246 = arith.fptosi %min3A_245 : vector<16xf32> to vector<16xi32>
      %convert_element_type3A_247 = arith.sitofp %convert_element_type3A_246 : vector<16xi32> to vector<16xf32>
      %sub3A_248 = arith.subf %min3A_245, %convert_element_type3A_247 : vector<16xf32>
      %gather3A_249 = tpu.vector_load_idx %arg11[%convert_element_type3A_246] : memref<1152xf32, #tpu.memory_space<vmem>>[vector<16xi32>], vector<16xf32>,
      %add3A_250 = arith.constant 1 : i32
      %add3A_251 = vector.broadcast %add3A_250 : i32 to vector<16xi32>
      %add3A_252 = arith.addi %convert_element_type3A_246, %add3A_251 : vector<16xi32>
      %gather3A_253 = tpu.vector_load_idx %arg11[%add3A_252] : memref<1152xf32, #tpu.memory_space<vmem>>[vector<16xi32>], vector<16xf32>,
      %max3A_254 = arith.constant 0.000000e+00 : f32
      %max3A_255 = vector.broadcast %max3A_254 : f32 to vector<16xf32>
      %max3A_256 = arith.maximumf %select_n3A_238, %max3A_255 : vector<16xf32>
      %add3A_257 = arith.addf %max3A_256, %gather3A_249 : vector<16xf32>
      %sub3A_258 = arith.subf %gather3A_253, %gather3A_249 : vector<16xf32>
      %mul3A_259 = arith.mulf %sub3A_248, %sub3A_258 : vector<16xf32>
      %add3A_260 = arith.addf %add3A_257, %mul3A_259 : vector<16xf32>
      %ne3A_261 = arith.constant -1 : i32
      %ne3A_262 = vector.broadcast %ne3A_261 : i32 to vector<16xi32>
      %ne3A_263 = arith.cmpi ne, %get3A_230, %ne3A_262 : vector<16xi32>
      %jit3A_264 = arith.constant 1.000000e+00 : f32
      %jit3A_265 = arith.constant 0.000000e+00 : f32
      %broadcast_in_dim3A_266 = vector.broadcast %jit3A_264 : f32 to vector<16xf32>
      %broadcast_in_dim3A_267 = vector.broadcast %jit3A_265 : f32 to vector<16xf32>
      %select_n3A_268 = arith.select %ne3A_263, %broadcast_in_dim3A_266, %broadcast_in_dim3A_267 : vector<16xi1>, vector<16xf32>
      %mul3A_269 = arith.mulf %add3A_260, %select_n3A_268 : vector<16xf32>
      %add3A_270 = arith.addf %scan3A_50, %mul3A_269 : vector<16xf32>
      %add3A_271 = arith.addf %scan3A_51, %select_n3A_268 : vector<16xf32>
      %add3A_272 = arith.constant 4 : i32
      %add3A_273 = arith.addi %mul3A_61, %add3A_272 : i32
      %mul3A_274 = arith.constant 16 : i32
      %mul3A_275 = arith.muli %add3A_273, %mul3A_274 : i32
      %get3A_276 = arith.index_cast %mul3A_275 : i32 to index
      %get3A_277 = tpu.vector_load %arg8[%get3A_276] {strides = array<i32>} : memref<4096xf32, #tpu.memory_space<vmem>>, vector<16xf32>,
      %mul3A_278 = arith.constant 16 : i32
      %mul3A_279 = arith.muli %add3A_273, %mul3A_278 : i32
      %get3A_280 = arith.index_cast %mul3A_279 : i32 to index
      %get3A_281 = tpu.vector_load %arg9[%get3A_280] {strides = array<i32>} : memref<4096xf32, #tpu.memory_space<vmem>>, vector<16xf32>,
      %mul3A_282 = arith.constant 16 : i32
      %mul3A_283 = arith.muli %add3A_273, %mul3A_282 : i32
      %get3A_284 = arith.index_cast %mul3A_283 : i32 to index
      %get3A_285 = tpu.vector_load %arg10[%get3A_284] {strides = array<i32>} : memref<4096xi32, #tpu.memory_space<vmem>>, vector<16xi32>,
      %sub3A_286 = arith.subf %get3A_281, %get3A_277 : vector<16xf32>
      %eq3A_287 = arith.constant 1 : i32
      %eq3A_288 = vector.broadcast %eq3A_287 : i32 to vector<16xi32>
      %eq3A_289 = arith.cmpi eq, %get3A_285, %eq3A_288 : vector<16xi32>
      %neg3A_290 = arith.constant 0.000000e+00 : f32
      %neg3A_291 = vector.broadcast %neg3A_290 : f32 to vector<16xf32>
      %neg3A_292 = arith.subf %neg3A_291, %sub3A_286 : vector<16xf32>
      %select_n3A_293 = arith.select %eq3A_289, %neg3A_292, %sub3A_286 : vector<16xi1>, vector<16xf32>
      %abs3A_294 = math.absf %select_n3A_293 : vector<16xf32>
      %mul3A_295 = arith.constant 6.400000e+01 : f32
      %mul3A_296 = vector.broadcast %mul3A_295 : f32 to vector<16xf32>
      %mul3A_297 = arith.mulf %abs3A_294, %mul3A_296 : vector<16xf32>
      %min3A_298 = arith.constant 1.087000e+03 : f32
      %min3A_299 = vector.broadcast %min3A_298 : f32 to vector<16xf32>
      %min3A_300 = arith.minimumf %mul3A_297, %min3A_299 : vector<16xf32>
      %convert_element_type3A_301 = arith.fptosi %min3A_300 : vector<16xf32> to vector<16xi32>
      %convert_element_type3A_302 = arith.sitofp %convert_element_type3A_301 : vector<16xi32> to vector<16xf32>
      %sub3A_303 = arith.subf %min3A_300, %convert_element_type3A_302 : vector<16xf32>
      %gather3A_304 = tpu.vector_load_idx %arg11[%convert_element_type3A_301] : memref<1152xf32, #tpu.memory_space<vmem>>[vector<16xi32>], vector<16xf32>,
      %add3A_305 = arith.constant 1 : i32
      %add3A_306 = vector.broadcast %add3A_305 : i32 to vector<16xi32>
      %add3A_307 = arith.addi %convert_element_type3A_301, %add3A_306 : vector<16xi32>
      %gather3A_308 = tpu.vector_load_idx %arg11[%add3A_307] : memref<1152xf32, #tpu.memory_space<vmem>>[vector<16xi32>], vector<16xf32>,
      %max3A_309 = arith.constant 0.000000e+00 : f32
      %max3A_310 = vector.broadcast %max3A_309 : f32 to vector<16xf32>
      %max3A_311 = arith.maximumf %select_n3A_293, %max3A_310 : vector<16xf32>
      %add3A_312 = arith.addf %max3A_311, %gather3A_304 : vector<16xf32>
      %sub3A_313 = arith.subf %gather3A_308, %gather3A_304 : vector<16xf32>
      %mul3A_314 = arith.mulf %sub3A_303, %sub3A_313 : vector<16xf32>
      %add3A_315 = arith.addf %add3A_312, %mul3A_314 : vector<16xf32>
      %ne3A_316 = arith.constant -1 : i32
      %ne3A_317 = vector.broadcast %ne3A_316 : i32 to vector<16xi32>
      %ne3A_318 = arith.cmpi ne, %get3A_285, %ne3A_317 : vector<16xi32>
      %jit3A_319 = arith.constant 1.000000e+00 : f32
      %jit3A_320 = arith.constant 0.000000e+00 : f32
      %broadcast_in_dim3A_321 = vector.broadcast %jit3A_319 : f32 to vector<16xf32>
      %broadcast_in_dim3A_322 = vector.broadcast %jit3A_320 : f32 to vector<16xf32>
      %select_n3A_323 = arith.select %ne3A_318, %broadcast_in_dim3A_321, %broadcast_in_dim3A_322 : vector<16xi1>, vector<16xf32>
      %mul3A_324 = arith.mulf %add3A_315, %select_n3A_323 : vector<16xf32>
      %add3A_325 = arith.addf %scan3A_52, %mul3A_324 : vector<16xf32>
      %add3A_326 = arith.addf %scan3A_53, %select_n3A_323 : vector<16xf32>
      %add3A_327 = arith.constant 5 : i32
      %add3A_328 = arith.addi %mul3A_61, %add3A_327 : i32
      %mul3A_329 = arith.constant 16 : i32
      %mul3A_330 = arith.muli %add3A_328, %mul3A_329 : i32
      %get3A_331 = arith.index_cast %mul3A_330 : i32 to index
      %get3A_332 = tpu.vector_load %arg8[%get3A_331] {strides = array<i32>} : memref<4096xf32, #tpu.memory_space<vmem>>, vector<16xf32>,
      %mul3A_333 = arith.constant 16 : i32
      %mul3A_334 = arith.muli %add3A_328, %mul3A_333 : i32
      %get3A_335 = arith.index_cast %mul3A_334 : i32 to index
      %get3A_336 = tpu.vector_load %arg9[%get3A_335] {strides = array<i32>} : memref<4096xf32, #tpu.memory_space<vmem>>, vector<16xf32>,
      %mul3A_337 = arith.constant 16 : i32
      %mul3A_338 = arith.muli %add3A_328, %mul3A_337 : i32
      %get3A_339 = arith.index_cast %mul3A_338 : i32 to index
      %get3A_340 = tpu.vector_load %arg10[%get3A_339] {strides = array<i32>} : memref<4096xi32, #tpu.memory_space<vmem>>, vector<16xi32>,
      %sub3A_341 = arith.subf %get3A_336, %get3A_332 : vector<16xf32>
      %eq3A_342 = arith.constant 1 : i32
      %eq3A_343 = vector.broadcast %eq3A_342 : i32 to vector<16xi32>
      %eq3A_344 = arith.cmpi eq, %get3A_340, %eq3A_343 : vector<16xi32>
      %neg3A_345 = arith.constant 0.000000e+00 : f32
      %neg3A_346 = vector.broadcast %neg3A_345 : f32 to vector<16xf32>
      %neg3A_347 = arith.subf %neg3A_346, %sub3A_341 : vector<16xf32>
      %select_n3A_348 = arith.select %eq3A_344, %neg3A_347, %sub3A_341 : vector<16xi1>, vector<16xf32>
      %abs3A_349 = math.absf %select_n3A_348 : vector<16xf32>
      %mul3A_350 = arith.constant 6.400000e+01 : f32
      %mul3A_351 = vector.broadcast %mul3A_350 : f32 to vector<16xf32>
      %mul3A_352 = arith.mulf %abs3A_349, %mul3A_351 : vector<16xf32>
      %min3A_353 = arith.constant 1.087000e+03 : f32
      %min3A_354 = vector.broadcast %min3A_353 : f32 to vector<16xf32>
      %min3A_355 = arith.minimumf %mul3A_352, %min3A_354 : vector<16xf32>
      %convert_element_type3A_356 = arith.fptosi %min3A_355 : vector<16xf32> to vector<16xi32>
      %convert_element_type3A_357 = arith.sitofp %convert_element_type3A_356 : vector<16xi32> to vector<16xf32>
      %sub3A_358 = arith.subf %min3A_355, %convert_element_type3A_357 : vector<16xf32>
      %gather3A_359 = tpu.vector_load_idx %arg11[%convert_element_type3A_356] : memref<1152xf32, #tpu.memory_space<vmem>>[vector<16xi32>], vector<16xf32>,
      %add3A_360 = arith.constant 1 : i32
      %add3A_361 = vector.broadcast %add3A_360 : i32 to vector<16xi32>
      %add3A_362 = arith.addi %convert_element_type3A_356, %add3A_361 : vector<16xi32>
      %gather3A_363 = tpu.vector_load_idx %arg11[%add3A_362] : memref<1152xf32, #tpu.memory_space<vmem>>[vector<16xi32>], vector<16xf32>,
      %max3A_364 = arith.constant 0.000000e+00 : f32
      %max3A_365 = vector.broadcast %max3A_364 : f32 to vector<16xf32>
      %max3A_366 = arith.maximumf %select_n3A_348, %max3A_365 : vector<16xf32>
      %add3A_367 = arith.addf %max3A_366, %gather3A_359 : vector<16xf32>
      %sub3A_368 = arith.subf %gather3A_363, %gather3A_359 : vector<16xf32>
      %mul3A_369 = arith.mulf %sub3A_358, %sub3A_368 : vector<16xf32>
      %add3A_370 = arith.addf %add3A_367, %mul3A_369 : vector<16xf32>
      %ne3A_371 = arith.constant -1 : i32
      %ne3A_372 = vector.broadcast %ne3A_371 : i32 to vector<16xi32>
      %ne3A_373 = arith.cmpi ne, %get3A_340, %ne3A_372 : vector<16xi32>
      %jit3A_374 = arith.constant 1.000000e+00 : f32
      %jit3A_375 = arith.constant 0.000000e+00 : f32
      %broadcast_in_dim3A_376 = vector.broadcast %jit3A_374 : f32 to vector<16xf32>
      %broadcast_in_dim3A_377 = vector.broadcast %jit3A_375 : f32 to vector<16xf32>
      %select_n3A_378 = arith.select %ne3A_373, %broadcast_in_dim3A_376, %broadcast_in_dim3A_377 : vector<16xi1>, vector<16xf32>
      %mul3A_379 = arith.mulf %add3A_370, %select_n3A_378 : vector<16xf32>
      %add3A_380 = arith.addf %scan3A_54, %mul3A_379 : vector<16xf32>
      %add3A_381 = arith.addf %scan3A_55, %select_n3A_378 : vector<16xf32>
      %add3A_382 = arith.constant 6 : i32
      %add3A_383 = arith.addi %mul3A_61, %add3A_382 : i32
      %mul3A_384 = arith.constant 16 : i32
      %mul3A_385 = arith.muli %add3A_383, %mul3A_384 : i32
      %get3A_386 = arith.index_cast %mul3A_385 : i32 to index
      %get3A_387 = tpu.vector_load %arg8[%get3A_386] {strides = array<i32>} : memref<4096xf32, #tpu.memory_space<vmem>>, vector<16xf32>,
      %mul3A_388 = arith.constant 16 : i32
      %mul3A_389 = arith.muli %add3A_383, %mul3A_388 : i32
      %get3A_390 = arith.index_cast %mul3A_389 : i32 to index
      %get3A_391 = tpu.vector_load %arg9[%get3A_390] {strides = array<i32>} : memref<4096xf32, #tpu.memory_space<vmem>>, vector<16xf32>,
      %mul3A_392 = arith.constant 16 : i32
      %mul3A_393 = arith.muli %add3A_383, %mul3A_392 : i32
      %get3A_394 = arith.index_cast %mul3A_393 : i32 to index
      %get3A_395 = tpu.vector_load %arg10[%get3A_394] {strides = array<i32>} : memref<4096xi32, #tpu.memory_space<vmem>>, vector<16xi32>,
      %sub3A_396 = arith.subf %get3A_391, %get3A_387 : vector<16xf32>
      %eq3A_397 = arith.constant 1 : i32
      %eq3A_398 = vector.broadcast %eq3A_397 : i32 to vector<16xi32>
      %eq3A_399 = arith.cmpi eq, %get3A_395, %eq3A_398 : vector<16xi32>
      %neg3A_400 = arith.constant 0.000000e+00 : f32
      %neg3A_401 = vector.broadcast %neg3A_400 : f32 to vector<16xf32>
      %neg3A_402 = arith.subf %neg3A_401, %sub3A_396 : vector<16xf32>
      %select_n3A_403 = arith.select %eq3A_399, %neg3A_402, %sub3A_396 : vector<16xi1>, vector<16xf32>
      %abs3A_404 = math.absf %select_n3A_403 : vector<16xf32>
      %mul3A_405 = arith.constant 6.400000e+01 : f32
      %mul3A_406 = vector.broadcast %mul3A_405 : f32 to vector<16xf32>
      %mul3A_407 = arith.mulf %abs3A_404, %mul3A_406 : vector<16xf32>
      %min3A_408 = arith.constant 1.087000e+03 : f32
      %min3A_409 = vector.broadcast %min3A_408 : f32 to vector<16xf32>
      %min3A_410 = arith.minimumf %mul3A_407, %min3A_409 : vector<16xf32>
      %convert_element_type3A_411 = arith.fptosi %min3A_410 : vector<16xf32> to vector<16xi32>
      %convert_element_type3A_412 = arith.sitofp %convert_element_type3A_411 : vector<16xi32> to vector<16xf32>
      %sub3A_413 = arith.subf %min3A_410, %convert_element_type3A_412 : vector<16xf32>
      %gather3A_414 = tpu.vector_load_idx %arg11[%convert_element_type3A_411] : memref<1152xf32, #tpu.memory_space<vmem>>[vector<16xi32>], vector<16xf32>,
      %add3A_415 = arith.constant 1 : i32
      %add3A_416 = vector.broadcast %add3A_415 : i32 to vector<16xi32>
      %add3A_417 = arith.addi %convert_element_type3A_411, %add3A_416 : vector<16xi32>
      %gather3A_418 = tpu.vector_load_idx %arg11[%add3A_417] : memref<1152xf32, #tpu.memory_space<vmem>>[vector<16xi32>], vector<16xf32>,
      %max3A_419 = arith.constant 0.000000e+00 : f32
      %max3A_420 = vector.broadcast %max3A_419 : f32 to vector<16xf32>
      %max3A_421 = arith.maximumf %select_n3A_403, %max3A_420 : vector<16xf32>
      %add3A_422 = arith.addf %max3A_421, %gather3A_414 : vector<16xf32>
      %sub3A_423 = arith.subf %gather3A_418, %gather3A_414 : vector<16xf32>
      %mul3A_424 = arith.mulf %sub3A_413, %sub3A_423 : vector<16xf32>
      %add3A_425 = arith.addf %add3A_422, %mul3A_424 : vector<16xf32>
      %ne3A_426 = arith.constant -1 : i32
      %ne3A_427 = vector.broadcast %ne3A_426 : i32 to vector<16xi32>
      %ne3A_428 = arith.cmpi ne, %get3A_395, %ne3A_427 : vector<16xi32>
      %jit3A_429 = arith.constant 1.000000e+00 : f32
      %jit3A_430 = arith.constant 0.000000e+00 : f32
      %broadcast_in_dim3A_431 = vector.broadcast %jit3A_429 : f32 to vector<16xf32>
      %broadcast_in_dim3A_432 = vector.broadcast %jit3A_430 : f32 to vector<16xf32>
      %select_n3A_433 = arith.select %ne3A_428, %broadcast_in_dim3A_431, %broadcast_in_dim3A_432 : vector<16xi1>, vector<16xf32>
      %mul3A_434 = arith.mulf %add3A_425, %select_n3A_433 : vector<16xf32>
      %add3A_435 = arith.addf %scan3A_56, %mul3A_434 : vector<16xf32>
      %add3A_436 = arith.addf %scan3A_57, %select_n3A_433 : vector<16xf32>
      %add3A_437 = arith.constant 7 : i32
      %add3A_438 = arith.addi %mul3A_61, %add3A_437 : i32
      %mul3A_439 = arith.constant 16 : i32
      %mul3A_440 = arith.muli %add3A_438, %mul3A_439 : i32
      %get3A_441 = arith.index_cast %mul3A_440 : i32 to index
      %get3A_442 = tpu.vector_load %arg8[%get3A_441] {strides = array<i32>} : memref<4096xf32, #tpu.memory_space<vmem>>, vector<16xf32>,
      %mul3A_443 = arith.constant 16 : i32
      %mul3A_444 = arith.muli %add3A_438, %mul3A_443 : i32
      %get3A_445 = arith.index_cast %mul3A_444 : i32 to index
      %get3A_446 = tpu.vector_load %arg9[%get3A_445] {strides = array<i32>} : memref<4096xf32, #tpu.memory_space<vmem>>, vector<16xf32>,
      %mul3A_447 = arith.constant 16 : i32
      %mul3A_448 = arith.muli %add3A_438, %mul3A_447 : i32
      %get3A_449 = arith.index_cast %mul3A_448 : i32 to index
      %get3A_450 = tpu.vector_load %arg10[%get3A_449] {strides = array<i32>} : memref<4096xi32, #tpu.memory_space<vmem>>, vector<16xi32>,
      %sub3A_451 = arith.subf %get3A_446, %get3A_442 : vector<16xf32>
      %eq3A_452 = arith.constant 1 : i32
      %eq3A_453 = vector.broadcast %eq3A_452 : i32 to vector<16xi32>
      %eq3A_454 = arith.cmpi eq, %get3A_450, %eq3A_453 : vector<16xi32>
      %neg3A_455 = arith.constant 0.000000e+00 : f32
      %neg3A_456 = vector.broadcast %neg3A_455 : f32 to vector<16xf32>
      %neg3A_457 = arith.subf %neg3A_456, %sub3A_451 : vector<16xf32>
      %select_n3A_458 = arith.select %eq3A_454, %neg3A_457, %sub3A_451 : vector<16xi1>, vector<16xf32>
      %abs3A_459 = math.absf %select_n3A_458 : vector<16xf32>
      %mul3A_460 = arith.constant 6.400000e+01 : f32
      %mul3A_461 = vector.broadcast %mul3A_460 : f32 to vector<16xf32>
      %mul3A_462 = arith.mulf %abs3A_459, %mul3A_461 : vector<16xf32>
      %min3A_463 = arith.constant 1.087000e+03 : f32
      %min3A_464 = vector.broadcast %min3A_463 : f32 to vector<16xf32>
      %min3A_465 = arith.minimumf %mul3A_462, %min3A_464 : vector<16xf32>
      %convert_element_type3A_466 = arith.fptosi %min3A_465 : vector<16xf32> to vector<16xi32>
      %convert_element_type3A_467 = arith.sitofp %convert_element_type3A_466 : vector<16xi32> to vector<16xf32>
      %sub3A_468 = arith.subf %min3A_465, %convert_element_type3A_467 : vector<16xf32>
      %gather3A_469 = tpu.vector_load_idx %arg11[%convert_element_type3A_466] : memref<1152xf32, #tpu.memory_space<vmem>>[vector<16xi32>], vector<16xf32>,
      %add3A_470 = arith.constant 1 : i32
      %add3A_471 = vector.broadcast %add3A_470 : i32 to vector<16xi32>
      %add3A_472 = arith.addi %convert_element_type3A_466, %add3A_471 : vector<16xi32>
      %gather3A_473 = tpu.vector_load_idx %arg11[%add3A_472] : memref<1152xf32, #tpu.memory_space<vmem>>[vector<16xi32>], vector<16xf32>,
      %max3A_474 = arith.constant 0.000000e+00 : f32
      %max3A_475 = vector.broadcast %max3A_474 : f32 to vector<16xf32>
      %max3A_476 = arith.maximumf %select_n3A_458, %max3A_475 : vector<16xf32>
      %add3A_477 = arith.addf %max3A_476, %gather3A_469 : vector<16xf32>
      %sub3A_478 = arith.subf %gather3A_473, %gather3A_469 : vector<16xf32>
      %mul3A_479 = arith.mulf %sub3A_468, %sub3A_478 : vector<16xf32>
      %add3A_480 = arith.addf %add3A_477, %mul3A_479 : vector<16xf32>
      %ne3A_481 = arith.constant -1 : i32
      %ne3A_482 = vector.broadcast %ne3A_481 : i32 to vector<16xi32>
      %ne3A_483 = arith.cmpi ne, %get3A_450, %ne3A_482 : vector<16xi32>
      %jit3A_484 = arith.constant 1.000000e+00 : f32
      %jit3A_485 = arith.constant 0.000000e+00 : f32
      %broadcast_in_dim3A_486 = vector.broadcast %jit3A_484 : f32 to vector<16xf32>
      %broadcast_in_dim3A_487 = vector.broadcast %jit3A_485 : f32 to vector<16xf32>
      %select_n3A_488 = arith.select %ne3A_483, %broadcast_in_dim3A_486, %broadcast_in_dim3A_487 : vector<16xi1>, vector<16xf32>
      %mul3A_489 = arith.mulf %add3A_480, %select_n3A_488 : vector<16xf32>
      %add3A_490 = arith.addf %scan3A_58, %mul3A_489 : vector<16xf32>
      %add3A_491 = arith.addf %scan3A_59, %select_n3A_488 : vector<16xf32>
      scf.yield %add3A_105, %add3A_106, %add3A_160, %add3A_161, %add3A_215, %add3A_216, %add3A_270, %add3A_271, %add3A_325, %add3A_326, %add3A_380, %add3A_381, %add3A_435, %add3A_436, %add3A_490, %add3A_491 : vector<16xf32>, vector<16xf32>, vector<16xf32>, vector<16xf32>, vector<16xf32>, vector<16xf32>, vector<16xf32>, vector<16xf32>, vector<16xf32>, vector<16xf32>, vector<16xf32>, vector<16xf32>, vector<16xf32>, vector<16xf32>, vector<16xf32>, vector<16xf32>
    }
    %scan3A_20 = arith.constant 32 : i32
    %add3A = arith.addf %scan3A_19#0, %scan3A_19#2 : vector<16xf32>
    %add3A_21 = arith.addf %scan3A_19#1, %scan3A_19#3 : vector<16xf32>
    %add3A_22 = arith.addf %add3A, %scan3A_19#4 : vector<16xf32>
    %add3A_23 = arith.addf %add3A_21, %scan3A_19#5 : vector<16xf32>
    %add3A_24 = arith.addf %add3A_22, %scan3A_19#6 : vector<16xf32>
    %add3A_25 = arith.addf %add3A_23, %scan3A_19#7 : vector<16xf32>
    %add3A_26 = arith.addf %add3A_24, %scan3A_19#8 : vector<16xf32>
    %add3A_27 = arith.addf %add3A_25, %scan3A_19#9 : vector<16xf32>
    %add3A_28 = arith.addf %add3A_26, %scan3A_19#10 : vector<16xf32>
    %add3A_29 = arith.addf %add3A_27, %scan3A_19#11 : vector<16xf32>
    %add3A_30 = arith.addf %add3A_28, %scan3A_19#12 : vector<16xf32>
    %add3A_31 = arith.addf %add3A_29, %scan3A_19#13 : vector<16xf32>
    %add3A_32 = arith.addf %add3A_30, %scan3A_19#14 : vector<16xf32>
    %add3A_33 = arith.addf %add3A_31, %scan3A_19#15 : vector<16xf32>
    %swap3A = arith.constant 0 : i32
    %swap3A_34 = arith.index_cast %swap3A : i32 to index
    %swap3A_35 = arith.constant 0 : index
    %swap3A_36 = tpu.vector_load %arg12[%swap3A_34, %swap3A_35] {strides = array<i32>} : memref<2x16xf32, #tpu.memory_space<vmem>>, vector<16xf32>,
    tpu.vector_store %arg12[%swap3A_34, %swap3A_35], %add3A_32 {strides = array<i32>} : memref<2x16xf32, #tpu.memory_space<vmem>>, vector<16xf32>,
    %swap3A_37 = arith.constant 1 : i32
    %swap3A_38 = arith.index_cast %swap3A_37 : i32 to index
    %swap3A_39 = arith.constant 0 : index
    %swap3A_40 = tpu.vector_load %arg12[%swap3A_38, %swap3A_39] {strides = array<i32>} : memref<2x16xf32, #tpu.memory_space<vmem>>, vector<16xf32>,
    tpu.vector_store %arg12[%swap3A_38, %swap3A_39], %add3A_33 {strides = array<i32>} : memref<2x16xf32, #tpu.memory_space<vmem>>, vector<16xf32>,
    "tpu.region"() ({
      %run_scoped3A = tpu.sem_alloc : memref<!tpu.dma_semaphore, #tpu.memory_space<semaphore_mem>>
      %dma_start3A_43 = arith.constant 0 : i32
      %dma_start3A_44 = arith.constant 0 : i32
      %dma_start3A_45 = tpu.memref_slice %arg7[%arg1, %dma_start3A_43, %dma_start3A_44] : memref<16x2x16xf32, #tpu.memory_space<hbm>> -> memref<1x2x16xf32, #tpu.memory_space<hbm>>
      %dma_start3A_46 = tpu.memref_squeeze %dma_start3A_45 : memref<1x2x16xf32, #tpu.memory_space<hbm>> -> memref<2x16xf32, #tpu.memory_space<hbm>>
      %dma_start3A_47 = arith.constant 0 : i32
      %dma_start3A_48 = arith.constant 0 : i32
      %dma_start3A_49 = tpu.memref_slice %arg7[%arg1, %dma_start3A_47, %dma_start3A_48] : memref<16x2x16xf32, #tpu.memory_space<hbm>> -> memref<1x2x16xf32, #tpu.memory_space<hbm>>
      %dma_start3A_50 = tpu.memref_squeeze %dma_start3A_49 : memref<1x2x16xf32, #tpu.memory_space<hbm>> -> memref<2x16xf32, #tpu.memory_space<hbm>>
      tpu.enqueue_dma source(%arg12 : memref<2x16xf32, #tpu.memory_space<vmem>>) target(%dma_start3A_50 : memref<2x16xf32, #tpu.memory_space<hbm>>) target_semaphore(%run_scoped3A : memref<!tpu.dma_semaphore, #tpu.memory_space<semaphore_mem>>)
      %dma_wait3A_51 = arith.constant 0 : i32
      %dma_wait3A_52 = arith.constant 0 : i32
      %dma_wait3A_53 = tpu.memref_slice %arg7[%arg1, %dma_wait3A_51, %dma_wait3A_52] : memref<16x2x16xf32, #tpu.memory_space<hbm>> -> memref<1x2x16xf32, #tpu.memory_space<hbm>>
      %dma_wait3A_54 = tpu.memref_squeeze %dma_wait3A_53 : memref<1x2x16xf32, #tpu.memory_space<hbm>> -> memref<2x16xf32, #tpu.memory_space<hbm>>
      %dma_wait3A_55 = arith.constant 0 : i32
      %dma_wait3A_56 = arith.constant 0 : i32
      %dma_wait3A_57 = tpu.memref_slice %arg7[%arg1, %dma_wait3A_55, %dma_wait3A_56] : memref<16x2x16xf32, #tpu.memory_space<hbm>> -> memref<1x2x16xf32, #tpu.memory_space<hbm>>
      %dma_wait3A_58 = tpu.memref_squeeze %dma_wait3A_57 : memref<1x2x16xf32, #tpu.memory_space<hbm>> -> memref<2x16xf32, #tpu.memory_space<hbm>>
      tpu.wait_dma2 semaphore(%run_scoped3A : memref<!tpu.dma_semaphore, #tpu.memory_space<semaphore_mem>>) src(%arg12 : memref<2x16xf32, #tpu.memory_space<vmem>>) dst(%dma_wait3A_58 : memref<2x16xf32, #tpu.memory_space<hbm>>)
      tpu.yield
    }) : () -> ()
    %barrier3A = arith.constant 0 : index
    tpu.barrier barrier_id(%barrier3A)
    %eq3A = arith.constant 0 : i32
    %eq3A_41 = arith.cmpi eq, %arg1, %eq3A : i32
    %convert_element_type3A = arith.extui %eq3A_41 : i1 to i32
    %cond3A = arith.constant 0 : i32
    %cond3A_42 = arith.cmpi ne, %convert_element_type3A, %cond3A : i32
    scf.if %cond3A_42 {
      "tpu.region"() ({
        %run_scoped3A = tpu.sem_alloc : memref<!tpu.dma_semaphore, #tpu.memory_space<semaphore_mem>>
        tpu.enqueue_dma source(%arg7 : memref<16x2x16xf32, #tpu.memory_space<hbm>>) target(%arg13 : memref<16x2x16xf32, #tpu.memory_space<vmem>>) target_semaphore(%run_scoped3A : memref<!tpu.dma_semaphore, #tpu.memory_space<semaphore_mem>>)
        tpu.wait_dma2 semaphore(%run_scoped3A : memref<!tpu.dma_semaphore, #tpu.memory_space<semaphore_mem>>) src(%arg7 : memref<16x2x16xf32, #tpu.memory_space<hbm>>) dst(%arg13 : memref<16x2x16xf32, #tpu.memory_space<vmem>>)
        tpu.yield
      }) : () -> ()
      %get3A = arith.constant 0 : i32
      %get3A_43 = arith.constant 0 : i32
      %get3A_44 = arith.index_cast %get3A : i32 to index
      %get3A_45 = arith.index_cast %get3A_43 : i32 to index
      %get3A_46 = arith.constant 0 : index
      %get3A_47 = tpu.vector_load %arg13[%get3A_44, %get3A_45, %get3A_46] {strides = array<i32>} : memref<16x2x16xf32, #tpu.memory_space<vmem>>, vector<16xf32>,
      %get3A_48 = arith.constant 0 : i32
      %get3A_49 = arith.constant 1 : i32
      %get3A_50 = arith.index_cast %get3A_48 : i32 to index
      %get3A_51 = arith.index_cast %get3A_49 : i32 to index
      %get3A_52 = arith.constant 0 : index
      %get3A_53 = tpu.vector_load %arg13[%get3A_50, %get3A_51, %get3A_52] {strides = array<i32>} : memref<16x2x16xf32, #tpu.memory_space<vmem>>, vector<16xf32>,
      %get3A_54 = arith.constant 1 : i32
      %get3A_55 = arith.constant 0 : i32
      %get3A_56 = arith.index_cast %get3A_54 : i32 to index
      %get3A_57 = arith.index_cast %get3A_55 : i32 to index
      %get3A_58 = arith.constant 0 : index
      %get3A_59 = tpu.vector_load %arg13[%get3A_56, %get3A_57, %get3A_58] {strides = array<i32>} : memref<16x2x16xf32, #tpu.memory_space<vmem>>, vector<16xf32>,
      %add3A_60 = arith.addf %get3A_47, %get3A_59 : vector<16xf32>
      %get3A_61 = arith.constant 1 : i32
      %get3A_62 = arith.constant 1 : i32
      %get3A_63 = arith.index_cast %get3A_61 : i32 to index
      %get3A_64 = arith.index_cast %get3A_62 : i32 to index
      %get3A_65 = arith.constant 0 : index
      %get3A_66 = tpu.vector_load %arg13[%get3A_63, %get3A_64, %get3A_65] {strides = array<i32>} : memref<16x2x16xf32, #tpu.memory_space<vmem>>, vector<16xf32>,
      %add3A_67 = arith.addf %get3A_53, %get3A_66 : vector<16xf32>
      %get3A_68 = arith.constant 2 : i32
      %get3A_69 = arith.constant 0 : i32
      %get3A_70 = arith.index_cast %get3A_68 : i32 to index
      %get3A_71 = arith.index_cast %get3A_69 : i32 to index
      %get3A_72 = arith.constant 0 : index
      %get3A_73 = tpu.vector_load %arg13[%get3A_70, %get3A_71, %get3A_72] {strides = array<i32>} : memref<16x2x16xf32, #tpu.memory_space<vmem>>, vector<16xf32>,
      %add3A_74 = arith.addf %add3A_60, %get3A_73 : vector<16xf32>
      %get3A_75 = arith.constant 2 : i32
      %get3A_76 = arith.constant 1 : i32
      %get3A_77 = arith.index_cast %get3A_75 : i32 to index
      %get3A_78 = arith.index_cast %get3A_76 : i32 to index
      %get3A_79 = arith.constant 0 : index
      %get3A_80 = tpu.vector_load %arg13[%get3A_77, %get3A_78, %get3A_79] {strides = array<i32>} : memref<16x2x16xf32, #tpu.memory_space<vmem>>, vector<16xf32>,
      %add3A_81 = arith.addf %add3A_67, %get3A_80 : vector<16xf32>
      %get3A_82 = arith.constant 3 : i32
      %get3A_83 = arith.constant 0 : i32
      %get3A_84 = arith.index_cast %get3A_82 : i32 to index
      %get3A_85 = arith.index_cast %get3A_83 : i32 to index
      %get3A_86 = arith.constant 0 : index
      %get3A_87 = tpu.vector_load %arg13[%get3A_84, %get3A_85, %get3A_86] {strides = array<i32>} : memref<16x2x16xf32, #tpu.memory_space<vmem>>, vector<16xf32>,
      %add3A_88 = arith.addf %add3A_74, %get3A_87 : vector<16xf32>
      %get3A_89 = arith.constant 3 : i32
      %get3A_90 = arith.constant 1 : i32
      %get3A_91 = arith.index_cast %get3A_89 : i32 to index
      %get3A_92 = arith.index_cast %get3A_90 : i32 to index
      %get3A_93 = arith.constant 0 : index
      %get3A_94 = tpu.vector_load %arg13[%get3A_91, %get3A_92, %get3A_93] {strides = array<i32>} : memref<16x2x16xf32, #tpu.memory_space<vmem>>, vector<16xf32>,
      %add3A_95 = arith.addf %add3A_81, %get3A_94 : vector<16xf32>
      %get3A_96 = arith.constant 4 : i32
      %get3A_97 = arith.constant 0 : i32
      %get3A_98 = arith.index_cast %get3A_96 : i32 to index
      %get3A_99 = arith.index_cast %get3A_97 : i32 to index
      %get3A_100 = arith.constant 0 : index
      %get3A_101 = tpu.vector_load %arg13[%get3A_98, %get3A_99, %get3A_100] {strides = array<i32>} : memref<16x2x16xf32, #tpu.memory_space<vmem>>, vector<16xf32>,
      %add3A_102 = arith.addf %add3A_88, %get3A_101 : vector<16xf32>
      %get3A_103 = arith.constant 4 : i32
      %get3A_104 = arith.constant 1 : i32
      %get3A_105 = arith.index_cast %get3A_103 : i32 to index
      %get3A_106 = arith.index_cast %get3A_104 : i32 to index
      %get3A_107 = arith.constant 0 : index
      %get3A_108 = tpu.vector_load %arg13[%get3A_105, %get3A_106, %get3A_107] {strides = array<i32>} : memref<16x2x16xf32, #tpu.memory_space<vmem>>, vector<16xf32>,
      %add3A_109 = arith.addf %add3A_95, %get3A_108 : vector<16xf32>
      %get3A_110 = arith.constant 5 : i32
      %get3A_111 = arith.constant 0 : i32
      %get3A_112 = arith.index_cast %get3A_110 : i32 to index
      %get3A_113 = arith.index_cast %get3A_111 : i32 to index
      %get3A_114 = arith.constant 0 : index
      %get3A_115 = tpu.vector_load %arg13[%get3A_112, %get3A_113, %get3A_114] {strides = array<i32>} : memref<16x2x16xf32, #tpu.memory_space<vmem>>, vector<16xf32>,
      %add3A_116 = arith.addf %add3A_102, %get3A_115 : vector<16xf32>
      %get3A_117 = arith.constant 5 : i32
      %get3A_118 = arith.constant 1 : i32
      %get3A_119 = arith.index_cast %get3A_117 : i32 to index
      %get3A_120 = arith.index_cast %get3A_118 : i32 to index
      %get3A_121 = arith.constant 0 : index
      %get3A_122 = tpu.vector_load %arg13[%get3A_119, %get3A_120, %get3A_121] {strides = array<i32>} : memref<16x2x16xf32, #tpu.memory_space<vmem>>, vector<16xf32>,
      %add3A_123 = arith.addf %add3A_109, %get3A_122 : vector<16xf32>
      %get3A_124 = arith.constant 6 : i32
      %get3A_125 = arith.constant 0 : i32
      %get3A_126 = arith.index_cast %get3A_124 : i32 to index
      %get3A_127 = arith.index_cast %get3A_125 : i32 to index
      %get3A_128 = arith.constant 0 : index
      %get3A_129 = tpu.vector_load %arg13[%get3A_126, %get3A_127, %get3A_128] {strides = array<i32>} : memref<16x2x16xf32, #tpu.memory_space<vmem>>, vector<16xf32>,
      %add3A_130 = arith.addf %add3A_116, %get3A_129 : vector<16xf32>
      %get3A_131 = arith.constant 6 : i32
      %get3A_132 = arith.constant 1 : i32
      %get3A_133 = arith.index_cast %get3A_131 : i32 to index
      %get3A_134 = arith.index_cast %get3A_132 : i32 to index
      %get3A_135 = arith.constant 0 : index
      %get3A_136 = tpu.vector_load %arg13[%get3A_133, %get3A_134, %get3A_135] {strides = array<i32>} : memref<16x2x16xf32, #tpu.memory_space<vmem>>, vector<16xf32>,
      %add3A_137 = arith.addf %add3A_123, %get3A_136 : vector<16xf32>
      %get3A_138 = arith.constant 7 : i32
      %get3A_139 = arith.constant 0 : i32
      %get3A_140 = arith.index_cast %get3A_138 : i32 to index
      %get3A_141 = arith.index_cast %get3A_139 : i32 to index
      %get3A_142 = arith.constant 0 : index
      %get3A_143 = tpu.vector_load %arg13[%get3A_140, %get3A_141, %get3A_142] {strides = array<i32>} : memref<16x2x16xf32, #tpu.memory_space<vmem>>, vector<16xf32>,
      %add3A_144 = arith.addf %add3A_130, %get3A_143 : vector<16xf32>
      %get3A_145 = arith.constant 7 : i32
      %get3A_146 = arith.constant 1 : i32
      %get3A_147 = arith.index_cast %get3A_145 : i32 to index
      %get3A_148 = arith.index_cast %get3A_146 : i32 to index
      %get3A_149 = arith.constant 0 : index
      %get3A_150 = tpu.vector_load %arg13[%get3A_147, %get3A_148, %get3A_149] {strides = array<i32>} : memref<16x2x16xf32, #tpu.memory_space<vmem>>, vector<16xf32>,
      %add3A_151 = arith.addf %add3A_137, %get3A_150 : vector<16xf32>
      %get3A_152 = arith.constant 8 : i32
      %get3A_153 = arith.constant 0 : i32
      %get3A_154 = arith.index_cast %get3A_152 : i32 to index
      %get3A_155 = arith.index_cast %get3A_153 : i32 to index
      %get3A_156 = arith.constant 0 : index
      %get3A_157 = tpu.vector_load %arg13[%get3A_154, %get3A_155, %get3A_156] {strides = array<i32>} : memref<16x2x16xf32, #tpu.memory_space<vmem>>, vector<16xf32>,
      %add3A_158 = arith.addf %add3A_144, %get3A_157 : vector<16xf32>
      %get3A_159 = arith.constant 8 : i32
      %get3A_160 = arith.constant 1 : i32
      %get3A_161 = arith.index_cast %get3A_159 : i32 to index
      %get3A_162 = arith.index_cast %get3A_160 : i32 to index
      %get3A_163 = arith.constant 0 : index
      %get3A_164 = tpu.vector_load %arg13[%get3A_161, %get3A_162, %get3A_163] {strides = array<i32>} : memref<16x2x16xf32, #tpu.memory_space<vmem>>, vector<16xf32>,
      %add3A_165 = arith.addf %add3A_151, %get3A_164 : vector<16xf32>
      %get3A_166 = arith.constant 9 : i32
      %get3A_167 = arith.constant 0 : i32
      %get3A_168 = arith.index_cast %get3A_166 : i32 to index
      %get3A_169 = arith.index_cast %get3A_167 : i32 to index
      %get3A_170 = arith.constant 0 : index
      %get3A_171 = tpu.vector_load %arg13[%get3A_168, %get3A_169, %get3A_170] {strides = array<i32>} : memref<16x2x16xf32, #tpu.memory_space<vmem>>, vector<16xf32>,
      %add3A_172 = arith.addf %add3A_158, %get3A_171 : vector<16xf32>
      %get3A_173 = arith.constant 9 : i32
      %get3A_174 = arith.constant 1 : i32
      %get3A_175 = arith.index_cast %get3A_173 : i32 to index
      %get3A_176 = arith.index_cast %get3A_174 : i32 to index
      %get3A_177 = arith.constant 0 : index
      %get3A_178 = tpu.vector_load %arg13[%get3A_175, %get3A_176, %get3A_177] {strides = array<i32>} : memref<16x2x16xf32, #tpu.memory_space<vmem>>, vector<16xf32>,
      %add3A_179 = arith.addf %add3A_165, %get3A_178 : vector<16xf32>
      %get3A_180 = arith.constant 10 : i32
      %get3A_181 = arith.constant 0 : i32
      %get3A_182 = arith.index_cast %get3A_180 : i32 to index
      %get3A_183 = arith.index_cast %get3A_181 : i32 to index
      %get3A_184 = arith.constant 0 : index
      %get3A_185 = tpu.vector_load %arg13[%get3A_182, %get3A_183, %get3A_184] {strides = array<i32>} : memref<16x2x16xf32, #tpu.memory_space<vmem>>, vector<16xf32>,
      %add3A_186 = arith.addf %add3A_172, %get3A_185 : vector<16xf32>
      %get3A_187 = arith.constant 10 : i32
      %get3A_188 = arith.constant 1 : i32
      %get3A_189 = arith.index_cast %get3A_187 : i32 to index
      %get3A_190 = arith.index_cast %get3A_188 : i32 to index
      %get3A_191 = arith.constant 0 : index
      %get3A_192 = tpu.vector_load %arg13[%get3A_189, %get3A_190, %get3A_191] {strides = array<i32>} : memref<16x2x16xf32, #tpu.memory_space<vmem>>, vector<16xf32>,
      %add3A_193 = arith.addf %add3A_179, %get3A_192 : vector<16xf32>
      %get3A_194 = arith.constant 11 : i32
      %get3A_195 = arith.constant 0 : i32
      %get3A_196 = arith.index_cast %get3A_194 : i32 to index
      %get3A_197 = arith.index_cast %get3A_195 : i32 to index
      %get3A_198 = arith.constant 0 : index
      %get3A_199 = tpu.vector_load %arg13[%get3A_196, %get3A_197, %get3A_198] {strides = array<i32>} : memref<16x2x16xf32, #tpu.memory_space<vmem>>, vector<16xf32>,
      %add3A_200 = arith.addf %add3A_186, %get3A_199 : vector<16xf32>
      %get3A_201 = arith.constant 11 : i32
      %get3A_202 = arith.constant 1 : i32
      %get3A_203 = arith.index_cast %get3A_201 : i32 to index
      %get3A_204 = arith.index_cast %get3A_202 : i32 to index
      %get3A_205 = arith.constant 0 : index
      %get3A_206 = tpu.vector_load %arg13[%get3A_203, %get3A_204, %get3A_205] {strides = array<i32>} : memref<16x2x16xf32, #tpu.memory_space<vmem>>, vector<16xf32>,
      %add3A_207 = arith.addf %add3A_193, %get3A_206 : vector<16xf32>
      %get3A_208 = arith.constant 12 : i32
      %get3A_209 = arith.constant 0 : i32
      %get3A_210 = arith.index_cast %get3A_208 : i32 to index
      %get3A_211 = arith.index_cast %get3A_209 : i32 to index
      %get3A_212 = arith.constant 0 : index
      %get3A_213 = tpu.vector_load %arg13[%get3A_210, %get3A_211, %get3A_212] {strides = array<i32>} : memref<16x2x16xf32, #tpu.memory_space<vmem>>, vector<16xf32>,
      %add3A_214 = arith.addf %add3A_200, %get3A_213 : vector<16xf32>
      %get3A_215 = arith.constant 12 : i32
      %get3A_216 = arith.constant 1 : i32
      %get3A_217 = arith.index_cast %get3A_215 : i32 to index
      %get3A_218 = arith.index_cast %get3A_216 : i32 to index
      %get3A_219 = arith.constant 0 : index
      %get3A_220 = tpu.vector_load %arg13[%get3A_217, %get3A_218, %get3A_219] {strides = array<i32>} : memref<16x2x16xf32, #tpu.memory_space<vmem>>, vector<16xf32>,
      %add3A_221 = arith.addf %add3A_207, %get3A_220 : vector<16xf32>
      %get3A_222 = arith.constant 13 : i32
      %get3A_223 = arith.constant 0 : i32
      %get3A_224 = arith.index_cast %get3A_222 : i32 to index
      %get3A_225 = arith.index_cast %get3A_223 : i32 to index
      %get3A_226 = arith.constant 0 : index
      %get3A_227 = tpu.vector_load %arg13[%get3A_224, %get3A_225, %get3A_226] {strides = array<i32>} : memref<16x2x16xf32, #tpu.memory_space<vmem>>, vector<16xf32>,
      %add3A_228 = arith.addf %add3A_214, %get3A_227 : vector<16xf32>
      %get3A_229 = arith.constant 13 : i32
      %get3A_230 = arith.constant 1 : i32
      %get3A_231 = arith.index_cast %get3A_229 : i32 to index
      %get3A_232 = arith.index_cast %get3A_230 : i32 to index
      %get3A_233 = arith.constant 0 : index
      %get3A_234 = tpu.vector_load %arg13[%get3A_231, %get3A_232, %get3A_233] {strides = array<i32>} : memref<16x2x16xf32, #tpu.memory_space<vmem>>, vector<16xf32>,
      %add3A_235 = arith.addf %add3A_221, %get3A_234 : vector<16xf32>
      %get3A_236 = arith.constant 14 : i32
      %get3A_237 = arith.constant 0 : i32
      %get3A_238 = arith.index_cast %get3A_236 : i32 to index
      %get3A_239 = arith.index_cast %get3A_237 : i32 to index
      %get3A_240 = arith.constant 0 : index
      %get3A_241 = tpu.vector_load %arg13[%get3A_238, %get3A_239, %get3A_240] {strides = array<i32>} : memref<16x2x16xf32, #tpu.memory_space<vmem>>, vector<16xf32>,
      %add3A_242 = arith.addf %add3A_228, %get3A_241 : vector<16xf32>
      %get3A_243 = arith.constant 14 : i32
      %get3A_244 = arith.constant 1 : i32
      %get3A_245 = arith.index_cast %get3A_243 : i32 to index
      %get3A_246 = arith.index_cast %get3A_244 : i32 to index
      %get3A_247 = arith.constant 0 : index
      %get3A_248 = tpu.vector_load %arg13[%get3A_245, %get3A_246, %get3A_247] {strides = array<i32>} : memref<16x2x16xf32, #tpu.memory_space<vmem>>, vector<16xf32>,
      %add3A_249 = arith.addf %add3A_235, %get3A_248 : vector<16xf32>
      %get3A_250 = arith.constant 15 : i32
      %get3A_251 = arith.constant 0 : i32
      %get3A_252 = arith.index_cast %get3A_250 : i32 to index
      %get3A_253 = arith.index_cast %get3A_251 : i32 to index
      %get3A_254 = arith.constant 0 : index
      %get3A_255 = tpu.vector_load %arg13[%get3A_252, %get3A_253, %get3A_254] {strides = array<i32>} : memref<16x2x16xf32, #tpu.memory_space<vmem>>, vector<16xf32>,
      %add3A_256 = arith.addf %add3A_242, %get3A_255 : vector<16xf32>
      %get3A_257 = arith.constant 15 : i32
      %get3A_258 = arith.constant 1 : i32
      %get3A_259 = arith.index_cast %get3A_257 : i32 to index
      %get3A_260 = arith.index_cast %get3A_258 : i32 to index
      %get3A_261 = arith.constant 0 : index
      %get3A_262 = tpu.vector_load %arg13[%get3A_259, %get3A_260, %get3A_261] {strides = array<i32>} : memref<16x2x16xf32, #tpu.memory_space<vmem>>, vector<16xf32>,
      %add3A_263 = arith.addf %add3A_249, %get3A_262 : vector<16xf32>
      %reduce_sum3A = arith.constant true
      %reduce_sum3A_264 = vector.broadcast %reduce_sum3A : i1 to vector<16xi1>
      %reduce_sum3A_265 = tpu.scan <sum>, %add3A_256 masked %reduce_sum3A_264 : vector<16xf32>, vector<16xi1> -> vector<16xf32>
      %reduce_sum3A_266 = vector.extract %reduce_sum3A_265[15] : f32 from vector<16xf32>
      %broadcast_in_dim3A_267 = vector.broadcast %reduce_sum3A_266 : f32 to vector<16xf32>
      %reduce_sum3A_268 = arith.constant true
      %reduce_sum3A_269 = vector.broadcast %reduce_sum3A_268 : i1 to vector<16xi1>
      %reduce_sum3A_270 = tpu.scan <sum>, %add3A_263 masked %reduce_sum3A_269 : vector<16xf32>, vector<16xi1> -> vector<16xf32>
      %reduce_sum3A_271 = vector.extract %reduce_sum3A_270[15] : f32 from vector<16xf32>
      %broadcast_in_dim3A_272 = vector.broadcast %reduce_sum3A_271 : f32 to vector<16xf32>
      %max3A = arith.constant 1.000000e+00 : f32
      %max3A_273 = vector.broadcast %max3A : f32 to vector<16xf32>
      %max3A_274 = arith.maximumf %broadcast_in_dim3A_272, %max3A_273 : vector<16xf32>
      %div3A = arith.constant 1.000000e+00 : f32
      %div3A_275 = vector.broadcast %div3A : f32 to vector<16xf32>
      %div3A_276 = arith.divf %div3A_275, %max3A_274 : vector<16xf32>
      %mul3A_277 = arith.mulf %max3A_274, %div3A_276 : vector<16xf32>
      %sub3A = arith.constant 2.000000e+00 : f32
      %sub3A_278 = vector.broadcast %sub3A : f32 to vector<16xf32>
      %sub3A_279 = arith.subf %sub3A_278, %mul3A_277 : vector<16xf32>
      %mul3A_280 = arith.mulf %div3A_276, %sub3A_279 : vector<16xf32>
      %mul3A_281 = arith.mulf %broadcast_in_dim3A_267, %mul3A_280 : vector<16xf32>
      %swap3A_282 = arith.constant 0 : index
      %swap3A_283 = tpu.vector_load %arg14[%swap3A_282] {strides = array<i32>} : memref<16xf32, #tpu.memory_space<vmem>>, vector<16xf32>,
      tpu.vector_store %arg14[%swap3A_282], %mul3A_281 {strides = array<i32>} : memref<16xf32, #tpu.memory_space<vmem>>, vector<16xf32>,
      "tpu.region"() ({
        %run_scoped3A = tpu.sem_alloc : memref<!tpu.dma_semaphore, #tpu.memory_space<semaphore_mem>>
        tpu.enqueue_dma source(%arg14 : memref<16xf32, #tpu.memory_space<vmem>>) target(%arg6 : memref<16xf32, #tpu.memory_space<hbm>>) target_semaphore(%run_scoped3A : memref<!tpu.dma_semaphore, #tpu.memory_space<semaphore_mem>>)
        tpu.wait_dma2 semaphore(%run_scoped3A : memref<!tpu.dma_semaphore, #tpu.memory_space<semaphore_mem>>) src(%arg14 : memref<16xf32, #tpu.memory_space<vmem>>) dst(%arg6 : memref<16xf32, #tpu.memory_space<hbm>>)
        tpu.yield
      }) : () -> ()
    } else {
    }
    return
  }
}

</mosaic_0001>

<sc_bundles>
// kernel: kernel.3.cloned.1.call-start
scs
__scs_entry_jumppad:
0x0: {  	(pc) =	sbr.rel $0x88, $3  }
0x1: {  	(tag) =	ssettag $0x0;
	lr =	simm.s32 $0x1  }
0x2: {  	[smem:$0x3F9F] =	sst lr;
	_ =	strace $0xD0000000  }
0x3: {  	_ = 	snop  }
0x4: {  	_ = 	snop  }
0x5: {  	_ = 	snop  }
0x6: {  	_ = 	snop  }
0x7: {  	_ = 	snop  }
__scs_overlays_trampoline_lowered:
0x8: {  	[smem:$0x3FAE] =	sst s0  }
0x9: {  	[smem:$0x3FAF] =	sst s1  }
0xa: {  	[smem:$0x3FB0] =	sst s2  }
0xb: {  	[smem:$0x3FB1] =	sst s3  }
0xc: {  	[smem:$0x3FB2] =	sst s4  }
0xd: {  	[smem:$0x3FB3] =	sst s5  }
0xe: {  	[smem:$0x3FB4] =	sst s6  }
0xf: {  	[smem:$0x3FB5] =	sst s7  }
0x10: {  	[smem:$0x3FB6] =	sst s8  }
0x11: {  	[smem:$0x3FB7] =	sst s9;
	s0 =	simm.s32 @!p0 $0x0  }
0x12: {  	s1 =	sld [smem:$0x3F9D];
	s0 =	simm.s32 @p0 $0x1  }
0x13: {  	[smem:$0x3FB8] =	sst s0;
	s0 =	simm.s32 @!p1 $0x0  }
0x14: {  	s2 =	sld [smem:$0x3F9C];
	s0 =	simm.s32 @p1 $0x1  }
0x15: {  	[smem:$0x3FB9] =	sst s0;
	s0 =	simm.s32 @!p2 $0x0  }
0x16: {  	s3 =	sld [smem:$0x3FDB];
	s0 =	simm.s32 @p2 $0x1  }
0x17: {  	s4 =	simm.s32 $0x1BF5;
	[smem:$0x3FBB] =	sst s0  }
0x18: {  	s0 =	sld [smem:$0x3F9E];
	_ =	swait.ge [sflag:s4], $0x0  }
0x19: {  	s7 =	sld [smem:$0x3F9F]  }
0x1a: {  	s8 =	sadd.s32 $0xFFFFE003, lr  }
0x1b: {  	s9 =	sadd.s32 $0xFFFFFEF7, lr;
	s5 =	simm.s32 $0xFFFFFFFF;
	p2 =	slt.u32 s8, $0xFFFFF086  }
0x1c: {  	p1 =	slt.u32 s9, $0xF7A;
	s5 =	simm.s32 @!p2 $0x0  }
0x1d: {  	s5 =	simm.s32 @p1 $0x1;
	p0 =	seq.s32 s7, s2  }
0x1e: {  	s7 =	smul.u32 @!p0 $0xF7A, s2;
	p2 =	seq.s32 @!p0 s5, $0x0  }
0x1f: {  	s9 =	smul.u32 $0xF7A, s1;
	s8 =	simm.s32 @!p0 $0x1BF5;
	p2 =	por !p2, p0  }
0x20: {  	[sflag:s8] =	ssyncset.s32 @!p0 $0xFFFFF086;
	s6 =	sadd.s32 @!p0 s3, s7;
	s7 =	simm.s32 @!p0 $0x108  }
0x21: {  	s3 =	sadd.s32 s3, s9;
	s6 =	sadd.s32 @!p0 $0x88, s6;
	s7 =	simm.s32 @p2 $0x1082  }
0x22: {  	[simem:s7], [sflag:s8] =	dma.local @!p0 [hbm:s6], $0xF7A  }
0x23: {  	s9 =	sor.u32 $0xD0000000, s2;
	s6 =	simm.s32 $0x108;
	_ =	swait.ge @!p0 [sflag:s8], $0x0  }
0x24: {  	s3 =	sadd.s32 $0x88, s3;
	s6 =	simm.s32 @!p1 $0x1082;
	[sflag:s4] =	ssyncset.s32 $0xFFFFF086  }
0x25: {  	[simem:s6], [sflag:s4] =	dma.local [hbm:s3], $0xF7A  }
0x26: {  	[smem:$0x3F9F] =	sst s1;
	(tag) =	ssettag s2;
	_ =	strace s9  }
0x27: {  	s1 =	sld [smem:$0x3FAF]  }
0x28: {  	s2 =	sld [smem:$0x3FB0]  }
0x29: {  	s4 =	sld [smem:$0x3FB2]  }
0x2a: {  	p0 =	seq.s32 s5, $0x0;
	s5 =	sld [smem:$0x3FB3]  }
0x2b: {  	s6 =	sld [smem:$0x3FB4]  }
0x2c: {  	s7 =	sld [smem:$0x3FB5]  }
0x2d: {  	s3 =	simm.s32 $0x108;
	s8 =	sld [smem:$0x3FB6]  }
0x2e: {  	s3 =	simm.s32 @!p0 $0x1082;
	s9 =	sld [smem:$0x3FB7]  }
0x2f: {  	lr =	sadd.s32 s0, s3;
	s0 =	sld [smem:$0x3FAE]  }
0x30: {  	s3 =	sld [smem:$0x3FB1]  }
0x31: {  	[smem:$0x3FBA] =	sst s10  }
0x32: {  	s10 =	sld [smem:$0x3FB8];
	_ =	sdelay $0x3  }
0x33: {  	p0 =	seq.s32 s10, $0x1;
	s10 =	sld [smem:$0x3FBA];
	_ =	sdelay $0x3  }
0x34: {  	[smem:$0x3FBA] =	sst s10  }
0x35: {  	s10 =	sld [smem:$0x3FB9];
	_ =	sdelay $0x3  }
0x36: {  	p1 =	seq.s32 s10, $0x1;
	s10 =	sld [smem:$0x3FBA];
	_ =	sdelay $0x3  }
0x37: {  	[smem:$0x3FBA] =	sst s10  }
0x38: {  	s10 =	sld [smem:$0x3FBB]  }
0x39: {  	_ = 	snop;
	(pc) =	sbr.ind lr, $3  }
0x3a: {  	_ = 	snop  }
0x3b: {  	_ = 	snop  }
0x3c: {  	p2 =	seq.s32 s10, $0x1;
	s10 =	sld [smem:$0x3FBA]  }
0x3d: {  	_ =	shalt  }
0x3e: {  	_ =	shalt  }
0x3f: {  	_ =	shalt  }
0x40: {  	_ =	shalt  }
0x41: {  	_ =	shalt  }
0x42: {  	_ =	shalt  }
0x43: {  	_ =	shalt  }
0x44: {  	_ =	shalt  }
0x45: {  	_ =	shalt  }
0x46: {  	_ =	shalt  }
0x47: {  	_ =	shalt  }
0x48: {  	_ =	shalt  }
0x49: {  	_ =	shalt  }
0x4a: {  	_ =	shalt  }
0x4b: {  	_ =	shalt  }
0x4c: {  	_ =	shalt  }
0x4d: {  	_ =	shalt  }
0x4e: {  	_ =	shalt  }
0x4f: {  	_ =	shalt  }
0x50: {  	_ =	shalt  }
0x51: {  	_ =	shalt  }
0x52: {  	_ =	shalt  }
0x53: {  	_ =	shalt  }
0x54: {  	_ =	shalt  }
0x55: {  	_ =	shalt  }
0x56: {  	_ =	shalt  }
0x57: {  	_ =	shalt  }
0x58: {  	_ =	shalt  }
0x59: {  	_ =	shalt  }
0x5a: {  	_ =	shalt  }
0x5b: {  	_ =	shalt  }
0x5c: {  	_ =	shalt  }
0x5d: {  	_ =	shalt  }
0x5e: {  	_ =	shalt  }
0x5f: {  	_ =	shalt  }
0x60: {  	_ =	shalt  }
0x61: {  	_ =	shalt  }
0x62: {  	_ =	shalt  }
0x63: {  	_ =	shalt  }
0x64: {  	_ =	shalt  }
0x65: {  	_ =	shalt  }
0x66: {  	_ =	shalt  }
0x67: {  	_ =	shalt  }
0x68: {  	_ =	shalt  }
0x69: {  	_ =	shalt  }
0x6a: {  	_ =	shalt  }
0x6b: {  	_ =	shalt  }
0x6c: {  	_ =	shalt  }
0x6d: {  	_ =	shalt  }
0x6e: {  	_ =	shalt  }
0x6f: {  	_ =	shalt  }
0x70: {  	_ =	shalt  }
0x71: {  	_ =	shalt  }
0x72: {  	_ =	shalt  }
0x73: {  	_ =	shalt  }
0x74: {  	_ =	shalt  }
0x75: {  	_ =	shalt  }
0x76: {  	_ =	shalt  }
0x77: {  	_ =	shalt  }
0x78: {  	_ =	shalt  }
0x79: {  	_ =	shalt  }
0x7a: {  	_ =	shalt  }
0x7b: {  	_ =	shalt  }
0x7c: {  	_ =	shalt  }
0x7d: {  	_ =	shalt  }
0x7e: {  	_ =	shalt  }
0x7f: {  	_ =	shalt  }
0x80: {  	_ =	shalt  }
0x81: {  	_ =	shalt  }
0x82: {  	_ =	shalt  }
0x83: {  	_ =	shalt  }
0x84: {  	_ =	shalt  }
0x85: {  	_ =	shalt  }
0x86: {  	_ =	shalt  }
0x87: {  	_ =	shalt  }
.Lfunc_end0:
.L_simem_size_0:
called_computation_lowered:
.L_overlay_start_0:
0x88: {  	s0 =	sld [smem:$0x3FD9]  }
0x89: {  	s1 =	sld [smem:$0x3FFE];
	_ =	sdelay $0x3  }
0x8a: {  	s0 =	sadd.s32 s1, s0  }
0x8b: {  	[smem:$0x3FC6] =	sst s0  }
0x8c: {  	_ = 	snop  }
0x8d: {  	s0 =	sld [smem:$0x3FC8]  }
0x8e: {  	s16 =	sld [smem:$0x3FD0];
	(tm) =	ssettm $0x1  }
0x8f: {  	s2 =	sld [smem:$0x3FFB];
	_ =	sdelay $0x3  }
0x90: {  	_ =	strace s2  }
0x91: {  	s2 =	sld [smem:$0x3FFC];
	_ =	sdelay $0x3  }
0x92: {  	_ =	strace s2  }
0x93: {  	s2 =	sld [smem:$0x3FFD];
	_ =	sdelay $0x3  }
0x94: {  	_ =	strace s2  }
0x95: {  	_ =	strace $0x8FFFFFFF  }
0x96: {  	s17 =	sld [smem:$0x3FDB];
	_ =	sdelay $0x1  }
0x97: {  	s3 =	simm.s32 $_scs_section_size  }
0x98: {  	s4 =	simm.s32 $_size__tile_overlayer_lowered;
	s5 =	simm.s32 $_tile_overlayer_lowered  }
0x99: {  	s20 =	simm.s32 $0x1BFF;
	s19 =	sshll.u32 s5, $0x1;
	s2 =	sadd.s32 s3, s17  }
0x9a: {  	s6 =	simm.s32 $0x0;
	s18 =	sshll.u32 s4, $0x1;
	s4 =	sadd.s32 s19, s2  }
0x9b: {  	[timem:s6], [sflag:s20] =	dma.local [hbm:s4], s18  }
0x9c: {  	_ =	swait.ge [sflag:s20], s18  }
0x9d: {  	s3 =	ssub.s32 $0x0, s18;
	[sflag:s20] =	ssyncset.done $0x0  }
0x9e: {  	[sflag:s20] =	ssyncadd.s32 s3;
	_ =	sdelay $0x1  }
0x9f: {  	s21 =	simm.s32 $0x1B8B  }
0xa0: {  	_ =	swait.ge [sflag:s21], $0x1  }
0xa1: {  	[sflag:s21] =	ssyncset.done $0x0  }
0xa2: {  	s23 =	simm.s32 $0x1B8E;
	s22 =	sld [smem:$0x3FFE];
	[sflag:s21] =	ssyncadd.s32 $0xFFFFFFFF  }
0xa3: {  	s24 =	simm.s32 $execute0_lowered;
	[smem:$0x3FD2] =	sst s23  }
0xa4: {  	s4 =	sshll.u32 s24, $0x1;
	_ =	strace $0x80000046;
	[dreg:$0x1] =	wrdreg $0xFFFFFFFF  }
0xa5: {  	s25 =	simm.s32 $_size_execute0_lowered;
	s2 =	sadd.s32 s2, s4;
	[dreg:$0x0] =	wrdreg $0x0  }
0xa6: {  	s4 =	sshll.u32 s25, $0x1;
	[dreg:$0x2] =	wrdreg s2  }
0xa7: {  	[dreg:$0x3] =	wrdreg s4  }
0xa8: {  	[dreg:$0x4] =	wrdreg $0xC0  }
0xa9: {  	_ =	task [dreg:s6], $0x5FFFF  }
0xaa: {  	[dreg:$0x1] =	wrdreg $0xFFFFFFFF  }
0xab: {  	[dreg:$0x0] =	wrdreg $0x60  }
0xac: {  	[dreg:$0x2] =	wrdreg s22  }
0xad: {  	[dreg:$0x3] =	wrdreg s0  }
0xae: {  	[dreg:$0x4] =	wrdreg s16  }
0xaf: {  	[dreg:$0x5] =	wrdreg $0x9  }
0xb0: {  	_ =	task.clear_ibuf [dreg:s6], $0x6FFFF;
	_ =	strace $0x90000046  }
0xb1: {  	s26 =	simm.s32 $0x9;
	_ =	strace $0x80000048  }
0xb2: {  	_ =	swait.ge [sflag:s26], $0x1  }
0xb3: {  	[sflag:s26] =	ssyncadd.s32 $0xFFFFFFFF  }
0xb4: {  	_ =	strace $0x90000048  }
0xb5: {  	_ =	sfence  }
0xb6: {  	s28 =	sld [smem:$0x0];
	_ =	sdelay $0x1  }
0xb7: {  	s29 =	srdreg.scid  }
0xb8: {  	s30 =	sshll.u32 s29, $0xD;
	s31 =	sshrl.u32 s29, $0x2  }
0xb9: {  	s1 =	sand.u32 $0x1, s29;
	s2 =	sand.u32 $0x4000, s30;
	s0 =	sadd.s32 s31, s28  }
0xba: {  	s1 =	sor.u32 s2, s1;
	s0 =	sshll.u32 s0, $0x11  }
0xbb: {  	s0 =	sor.u32 s0, s1  }
0xbc: {  	s0 =	sadd.s32 $0x8F2B, s0  }
0xbd: {  	[sflag:s0] =	ssyncadd.remote.s32 $0x1  }
0xbe: {  	_ =	sfence.sel $0xFFFF  }
0xbf: {  	[dreg:$0x0] =	wrdreg $0xFFFFFFFF;
	(pc) =	sbr.abs _section_cstart, $3  }
0xc0: {  	[dreg:$0x1] =	wrdreg $0xFFFFFFFF  }
0xc1: {  	_ =	task.clear_ibuf [dreg:s6], $0x2FFFF;
	_ =	strace $0x9FFFFFFF  }
0xc2: {  	(tm) =	ssettm $0x7FFFFFFF  }
0xc3: {  	_ =	shalt  }
tec
execute0_lowered:
.L_overlay_start_1:
0x0: {  	(tag) =	ssettag $0x1  }
0x1: {  	s4 =	rddreg [dreg:$0x0]  }
0x2: {  	s5 =	rddreg [dreg:$0x1]  }
0x3: {  	s1 =	rddreg [dreg:$0x2]  }
0x4: {  	s0 =	rddreg [dreg:$0x3];
	s6 =	simm.s32 $0x0;
	s2 =	stileid.u32  }
0x5: {  	s3 =	simm.s32 $0x3000;
	[smem:$0x7FF] =	sst s6;
	s7 =	sshll.u32 s2, $0x9  }
0x6: {  	s9 =	sadd.s32 $0x4C00, s4;
	_ =	strace $0x80000047;
	s8 =	sadd.s32 s7, s4  }
0x7: {  	[tilespmem:s3], [sflag:$0x4] =	stream.linear.gather [hbm4b:s9+s6], $0x480, $0x38;
	[tilespmem:$0x4600] =	vst v63  }
0x8: {  	s23 =	sadd.s32 $0x2C00, s8  }
0x9: {  	[tilespmem:s6], [sflag:$0x1] =	stream.linear.gather [hbm4b:s23+s6], $0x1000, $0x38;
	[tilespmem:$0x4600] =	vst v63  }
0xa: {  	s24 =	simm.s32 $0x1000;
	s8 =	sadd.s32 $0xC00, s8  }
0xb: {  	[tilespmem:s24], [sflag:$0x2] =	stream.linear.gather [hbm4b:s8+s6], $0x1000, $0x38;
	[tilespmem:$0x4600] =	vst v63  }
0xc: {  	s25 =	simm.s32 $0x2000;
	s26 =	simm.s32 $0x4;
	s5 =	sadd.s32 s5, s7  }
0xd: {  	[tilespmem:s25], [sflag:$0x3] =	stream.linear.gather [hbm4b:s5+s6], $0x1000, $0x38;
	[tilespmem:$0x4600] =	vst v63  }
0xe: {  	_ =	swait.ge [sflag:s26], $0x480  }
0xf: {  	[sflag:s26] =	ssyncset.done $0x0  }
0x10: {  	s28 =	simm.s32 $0x1;
	[sflag:s26] =	ssyncadd.s32 $0xFFFFFB80  }
0x11: {  	_ =	swait.ge [sflag:s28], $0x1000  }
0x12: {  	[sflag:s28] =	ssyncset.done $0x0  }
0x13: {  	s29 =	simm.s32 $0x2;
	[sflag:s28] =	ssyncadd.s32 $0xFFFFF000  }
0x14: {  	_ =	swait.ge [sflag:s29], $0x1000  }
0x15: {  	[sflag:s29] =	ssyncset.done $0x0  }
0x16: {  	s30 =	simm.s32 $0x3;
	[sflag:s29] =	ssyncadd.s32 $0xFFFFF000  }
0x17: {  	_ =	swait.ge [sflag:s30], $0x1000  }
0x18: {  	[sflag:s30] =	ssyncset.done $0x0  }
0x19: {  	s31 =	simm.s32 $0x0;
	[sflag:s30] =	ssyncadd.s32 $0xFFFFF000  }
0x1a: {  	v5 =	vld [tilespmem:s31+$0x2030]  }
0x1b: {  	v2 =	vld [tilespmem:s31+$0x2040]  }
0x1c: {  	v6 =	vld [tilespmem:s31+$0x1020]  }
0x1d: {  	v3 =	vld [tilespmem:s31+$0x2020]  }
0x1e: {  	v7 =	vld [tilespmem:s31+$0x2000]  }
0x1f: {  	v9 =	vld [tilespmem:s31+$0x1010]  }
0x20: {  	v10 =	vld [tilespmem:s31+$0x1030]  }
0x21: {  	v8 =	vld [tilespmem:s31+$0x1050]  }
0x22: {  	v12 =	vld [tilespmem:s31+$0x2050]  }
0x23: {  	v14 =	vld [tilespmem:s31+$0x1070]  }
0x24: {  	v15 =	vld [tilespmem:s31+$0x20]  }
0x25: {  	v16 =	vld [tilespmem:s31+$0x50]  }
0x26: {  	v17 =	vld [tilespmem:s31+$0x2010]  }
0x27: {  	v18 =	vld [tilespmem:s31+$0x30]  }
0x28: {  	v19 =	vld [tilespmem:s31+$0x10]  }
0x29: {  	v20 =	vld [tilespmem:s31+$0x70]  }
0x2a: {  	v24 =	vld [tilespmem:s31+$0x1060]  }
0x2b: {  	v1 =	vimm.f32 $1.000000000e+00;
	v0 =	vimm.f32 $0.0e+00;
	v25 =	vld [tilespmem:s31+$0x60]  }
0x2c: {  	v11 =	vld [tilespmem:s31+$0x2060];
	vm0 =	veq.s32 v3, $0xFFFFFFFF;
	vm2 =	veq.s32 v2, $0xFFFFFFFF;
	vm3 =	veq.s32 v5, $0x1  }
0x2d: {  	v13 =	vld [tilespmem:s31+$0x2070];
	vm1 =	veq.s32 v2, $0x1;
	vm4 =	veq.s32 v3, $0x1;
	v15 =	vsub.f32 v6, v15  }
0x2e: {  	vm5 =	veq.s32 v12, $0x1;
	vm6 =	veq.s32 v5, $0xFFFFFFFF;
	v16 =	vsub.f32 v8, v16  }
0x2f: {  	v22 =	vld [tilespmem:s31+$0x1000];
	vm7 =	veq.s32 v7, $0xFFFFFFFF;
	v10 =	vsub.f32 v10, v18;
	v9 =	vsub.f32 v9, v19  }
0x30: {  	v23 =	vld [tilespmem:s31+$0x1040];
	vm15 =	veq.s32 v17, $0x1;
	v14 =	vsub.f32 v14, v20;
	v24 =	vsub.f32 v24, v25  }
0x31: {  	v5 =	vld [tilespmem:s31+$0x0];
	v4 =	vsel vm0, $0x0, v1;
	v3 =	vsel vm2, $0x0, v1;
	vm0 =	veq.s32 v11, $0x1  }
0x32: {  	v18 =	vld [tilespmem:s31+$0x40];
	vm2 =	veq.s32 v13, $0x1;
	v8 =	vsel vm7, $0x0, v1;
	v21 =	vsub.f32 $0.0e+00, v15  }
0x33: {  	v6 =	vsel vm6, $0x0, v1;
	v19 =	vsub.f32 $0.0e+00, v16;
	v27 =	vsub.f32 $0.0e+00, v14  }
0x34: {  	v2 =	vadd.f32 v4, v0;
	v21 =	vsel vm4, v21, v15;
	v15 =	vsub.f32 $0.0e+00, v10  }
0x35: {  	v16 =	vsel vm5, v19, v16;
	v14 =	vsel vm2, v27, v14;
	vm2 =	veq.s32 v11, $0xFFFFFFFF  }
0x36: {  	v26 =	vand.u32 $0x7FFFFFFF, v21;
	v19 =	vsub.f32 v22, v5;
	v5 =	vadd.f32 v6, v0  }
0x37: {  	v18 =	vsub.f32 v23, v18;
	v20 =	vand.u32 $0x7FFFFFFF, v16;
	v22 =	vsub.f32 $0.0e+00, v9  }
0x38: {  	v29 =	vand.u32 $0x7FFFFFFF, v14;
	v27 =	vmax.f32 v14, $0.0e+00;
	v10 =	vsel vm3, v15, v10  }
0x39: {  	v20 =	vmul.f32 $6.400000000e+01, v20;
	vm3 =	veq.s32 v7, $0x1;
	v26 =	vmul.f32 $6.400000000e+01, v26  }
0x3a: {  	v15 =	vand.u32 $0x7FFFFFFF, v10;
	v28 =	vsub.f32 $0.0e+00, v19;
	v23 =	vsel vm15, v22, v9  }
0x3b: {  	v7 =	vsub.f32 $0.0e+00, v18;
	v52 =	vmax.f32 v10, $0.0e+00;
	v10 =	vadd.f32 v3, v0  }
0x3c: {  	v15 =	vmul.f32 $6.400000000e+01, v15;
	v9 =	vand.u32 $0x7FFFFFFF, v23;
	v20 =	vmin.f32 v20, $1.087000000e+03  }
0x3d: {  	v39 =	vmin.f32 v26, $1.087000000e+03;
	v22 =	vsel vm3, v28, v19;
	v19 =	vsub.f32 $0.0e+00, v24  }
0x3e: {  	v9 =	vmul.f32 $6.400000000e+01, v9;
	vm3 =	veq.s32 v17, $0xFFFFFFFF;
	v32 =	vtrunc.f32 v39  }
0x3f: {  	v25 =	vand.u32 $0x7FFFFFFF, v22;
	v15 =	vmin.f32 v15, $1.087000000e+03;
	v53 =	vcvt.f32.s32 v32  }
0x40: {  	v25 =	vmul.f32 $6.400000000e+01, v25;
	v24 =	vsel vm0, v19, v24;
	v19 =	vtrunc.f32 v15  }
0x41: {  	vm0 =	veq.s32 v12, $0xFFFFFFFF;
	v40 =	vmin.f32 v9, $1.087000000e+03;
	v28 =	vand.u32 $0x7FFFFFFF, v24  }
0x42: {  	v19 =	vcvt.f32.s32 v19;
	v14 =	vmin.f32 v25, $1.087000000e+03;
	v25 =	vtrunc.f32 v20  }
0x43: {  	v50 =	vadd.s32 $0x1, v53;
	v12 =	vmul.f32 $6.400000000e+01, v28;
	v26 =	vtrunc.f32 v14  }
0x44: {  	v9 =	vcvt.f32.s32 v25;
	v33 =	vadd.s32 $0x1, v19;
	v30 =	vcvt.f32.s32 v26  }
0x45: {  	v26 =	vsel vm1, v7, v18;
	v7 =	vmin.f32 v12, $1.087000000e+03;
	v12 =	vmul.f32 $6.400000000e+01, v29  }
0x46: {  	vm1 =	veq.s32 v13, $0xFFFFFFFF;
	v13 =	vcvt.s32.f32 v19;
	v25 =	vand.u32 $0x7FFFFFFF, v26  }
0x47: {  	v17 =	vtrunc.f32 v7;
	v12 =	vmin.f32 v12, $1.087000000e+03;
	v28 =	vcvt.s32.f32 v30  }
0x48: {  	v18 =	vadd.s32 $0x1, v30;
	v17 =	vcvt.f32.s32 v17;
	v35 =	vtrunc.f32 v12  }
0x49: {  	v31 =	vsub.f32 v14, v28;
	v14 =	vmul.f32 $6.400000000e+01, v25;
	v25 =	vtrunc.f32 v40  }
0x4a: {  	v32 =	vld.idx.msk [tilespmem:v19+s3+$0x0], $0xffff;
	v28 =	vsub.f32 v15, v13;
	v13 =	vadd.s32 $0x1, v9;
	v15 =	vcvt.f32.s32 v35  }
0x4b: {  	v51 =	vadd.s32 $0x1, v17;
	v36 =	vld.idx.msk [tilespmem:v33+s3+$0x0], $0xffff;
	v45 =	vcvt.f32.s32 v25;
	v25 =	vsel vm3, $0x0, v1  }
0x4c: {  	v29 =	vld.idx.msk [tilespmem:v9+s3+$0x0], $0xffff;
	v37 =	vmin.f32 v14, $1.087000000e+03;
	v14 =	vcvt.s32.f32 v9;
	v9 =	vcvt.s32.f32 v15  }
0x4d: {  	v34 =	vld.idx.msk [tilespmem:v30+s3+$0x0], $0xffff;
	v48 =	vadd.s32 $0x1, v15;
	v11 =	vtrunc.f32 v37;
	v47 =	vadd.s32 $0x1, v45  }
0x4e: {  	v18 =	vld.idx.msk [tilespmem:v18+s3+$0x0], $0xffff;
	v19 =	vcvt.s32.f32 v45;
	v30 =	vsub.f32 v12, v9;
	v9 =	vadd.f32 v25, v0  }
0x4f: {  	v35 =	vsub.f32 v20, v14;
	v12 =	vcvt.s32.f32 v53;
	v14 =	vmax.f32 v16, $0.0e+00;
	v44 =	vld.idx.msk [tilespmem:v17+s3+$0x0], $0xffff  }
0x50: {  	v16 =	vcvt.s32.f32 v17;
	v49 =	vcvt.f32.s32 v11;
	v11 =	vimm.f32 $0.0e+00;
	v38 =	vld.idx.msk [tilespmem:v13+s3+$0x0], $0xffff  }
0x51: {  	v17 =	vimm.f32 $0.0e+00;
	v20 =	vimm.f32 $0.0e+00;
	v41 =	vsub.f32 v40, v19;
	v51 =	vld.idx.msk [tilespmem:v51+s3+$0x0], $0xffff  }
0x52: {  	v19 =	vimm.f32 $0.0e+00;
	v33 =	vadd.f32 v14, v29;
	v39 =	vsub.f32 v39, v12;
	v42 =	vld.idx.msk [tilespmem:v15+s3+$0x0], $0xffff  }
0x53: {  	v13 =	vimm.f32 $0.0e+00;
	v15 =	vadd.f32 v8, v0;
	v40 =	vsub.f32 v7, v16;
	v46 =	vld.idx.msk [tilespmem:v45+s3+$0x0], $0xffff  }
0x54: {  	v7 =	vimm.f32 $0.0e+00;
	v12 =	vimm.f32 $0.0e+00;
	v14 =	vimm.f32 $0.0e+00;
	v48 =	vld.idx.msk [tilespmem:v48+s3+$0x0], $0xffff  }
0x55: {  	s4 =	sadd.s32 $0x4E00, s4;
	s5 =	simm.s32 $0x200;
	v16 =	vimm.f32 $0.0e+00;
	v45 =	vld.idx.msk [tilespmem:v53+s3+$0x0], $0xffff;
	v43 =	vsub.f32 v18, v34;
	v18 =	vimm.f32 $0.0e+00  }
.LBB2_1:
0x56: {  	s6 =	sshra.s32 s5, $0x2;
	p0 =	sne.s32 s5, $0x3E00;
	s5 =	sadd.s32 $0x200, s5;
	v47 =	vld.idx.msk [tilespmem:v47+s3+$0x0], $0xffff;
	v23 =	vmax.f32 v23, $0.0e+00;
	v52 =	vadd.f32 v52, v32;
	v53 =	vadd.s32 $0x1, v49  }
0x57: {  	v54 =	vcvt.s32.f32 v49;
	v55 =	vsel vm2, $0x0, v1;
	v27 =	vadd.f32 v27, v42;
	v50 =	vld.idx.msk [tilespmem:v50+s3+$0x0], $0xffff  }
0x58: {  	v24 =	vmax.f32 v24, $0.0e+00;
	v57 =	vsel vm1, $0x0, v1;
	v23 =	vadd.f32 v23, v46;
	v56 =	vld [tilespmem:s6+$0x2030]  }
0x59: {  	v22 =	vmax.f32 v22, $0.0e+00;
	v24 =	vadd.f32 v24, v44;
	v0 =	vadd.f32 v55, v0;
	v49 =	vld.idx.msk [tilespmem:v49+s3+$0x0], $0xffff  }
0x5a: {  	v26 =	vmax.f32 v26, $0.0e+00;
	v37 =	vsub.f32 v37, v54;
	v44 =	vsub.f32 v51, v44;
	v58 =	vld [tilespmem:s6+$0x2040]  }
0x5b: {  	v31 =	vmul.f32 v31, v43;
	v22 =	vadd.f32 v22, v34;
	v7 =	vadd.f32 v57, v7;
	v51 =	vld [tilespmem:s6+$0x1020]  }
0x5c: {  	v21 =	vmax.f32 v21, $0.0e+00;
	v42 =	vsub.f32 v48, v42;
	v34 =	vsub.f32 v47, v46;
	v43 =	vld.idx.msk [tilespmem:v53+s3+$0x0], $0xffff  }
0x5d: {  	v29 =	vsub.f32 v38, v29;
	v22 =	vadd.f32 v31, v22;
	v31 =	vmul.f32 v40, v44;
	v46 =	vld [tilespmem:s6+$0x2020]  }
0x5e: {  	v32 =	vsub.f32 v36, v32;
	v21 =	vadd.f32 v21, v45;
	v34 =	vmul.f32 v41, v34;
	v38 =	vld [tilespmem:s6+$0x2000]  }
0x5f: {  	v8 =	vmul.f32 v22, v8;
	v22 =	vmul.f32 v35, v29;
	v36 =	vld [tilespmem:s6+$0x1010];
	vm2 =	veq.s32 v58, $0xFFFFFFFF  }
0x60: {  	v32 =	vmul.f32 v28, v32;
	v40 =	vmul.f32 v30, v42;
	v35 =	vsub.f32 v50, v45;
	v29 =	vld [tilespmem:s6+$0x1030]  }
0x61: {  	v19 =	vadd.f32 v8, v19;
	v8 =	vsel vm0, $0x0, v1;
	v24 =	vadd.f32 v31, v24;
	v41 =	vld [tilespmem:s6+$0x1050]  }
0x62: {  	v22 =	vadd.f32 v22, v33;
	v31 =	vmul.f32 v39, v35;
	vm0 =	veq.s32 v46, $0xFFFFFFFF;
	v30 =	vld [tilespmem:s6+$0x2060]  }
0x63: {  	v26 =	vadd.f32 v26, v49;
	v12 =	vadd.f32 v8, v12;
	v33 =	vsel vm0, $0x0, v1;
	v35 =	vld [tilespmem:s6+$0x2050]  }
0x64: {  	vm1 =	veq.s32 v58, $0x1;
	v21 =	vadd.f32 v31, v21;
	vm0 =	veq.s32 v56, $0x1;
	v28 =	vld [tilespmem:s6+$0x2070]  }
0x65: {  	v8 =	vmul.f32 v22, v8;
	v22 =	vadd.f32 v40, v27;
	v39 =	vsub.f32 v43, v49;
	v31 =	vld [tilespmem:s6+$0x1070]  }
0x66: {  	v32 =	vadd.f32 v32, v52;
	v23 =	vadd.f32 v34, v23;
	v24 =	vmul.f32 v24, v55;
	v27 =	vld [tilespmem:s6+$0x20]  }
0x67: {  	v14 =	vadd.f32 v8, v14;
	v8 =	vmul.f32 v22, v57;
	v2 =	vadd.f32 v33, v2;
	v34 =	vld [tilespmem:s6+$0x50]  }
0x68: {  	v13 =	vadd.f32 v24, v13;
	vm4 =	veq.s32 v46, $0x1;
	v21 =	vmul.f32 v21, v4;
	v4 =	vmovc v33;
	v40 =	vld [tilespmem:s6+$0x2010]  }
0x69: {  	v24 =	vsel vm2, $0x0, v1;
	v11 =	vadd.f32 v8, v11;
	v33 =	vmul.f32 v37, v39;
	v22 =	vld [tilespmem:s6+$0x30]  }
0x6a: {  	v6 =	vmul.f32 v32, v6;
	v18 =	vadd.f32 v21, v18;
	vm2 =	veq.s32 v30, $0x1;
	v37 =	vld [tilespmem:s6+$0x10]  }
0x6b: {  	v23 =	vmul.f32 v23, v25;
	vm6 =	veq.s32 v35, $0x1;
	v21 =	vsub.f32 v51, v27;
	v27 =	vld [tilespmem:s6+$0x70]  }
0x6c: {  	vm7 =	veq.s32 v56, $0xFFFFFFFF;
	v17 =	vadd.f32 v6, v17;
	vm3 =	veq.s32 v28, $0x1;
	v25 =	vld [tilespmem:s6+$0x1000]  }
0x6d: {  	vm5 =	veq.s32 v38, $0xFFFFFFFF;
	v6 =	vadd.f32 v33, v26;
	v34 =	vsub.f32 v41, v34;
	v32 =	vld [tilespmem:s6+$0x0]  }
0x6e: {  	v20 =	vadd.f32 v23, v20;
	v8 =	vsel vm5, $0x0, v1;
	v26 =	vsub.f32 $0.0e+00, v21;
	v33 =	vld [tilespmem:s6+$0x1040]  }
0x6f: {  	vm5 =	veq.s32 v40, $0x1;
	v22 =	vsub.f32 v29, v22;
	v29 =	vmul.f32 v6, v3;
	v3 =	vmovc v24;
	v23 =	vld [tilespmem:s6+$0x40]  }
0x70: {  	v6 =	vsel vm7, $0x0, v1;
	v24 =	vsub.f32 v36, v37;
	v36 =	vsub.f32 $0.0e+00, v34;
	v37 =	vld [tilespmem:s6+$0x1060]  }
0x71: {  	v21 =	vsel vm4, v26, v21;
	v26 =	vsub.f32 $0.0e+00, v22;
	v16 =	vadd.f32 v29, v16;
	v39 =	vld [tilespmem:s6+$0x60]  }
0x72: {  	v29 =	vand.u32 $0x7FFFFFFF, v21;
	v27 =	vsub.f32 v31, v27;
	v41 =	vsel vm6, v36, v34  }
0x73: {  	v5 =	vadd.f32 v6, v5;
	v25 =	vsub.f32 v25, v32;
	v52 =	vsel vm0, v26, v22  }
0x74: {  	v22 =	vand.u32 $0x7FFFFFFF, v52;
	v26 =	vsub.f32 v33, v23;
	v23 =	vand.u32 $0x7FFFFFFF, v41  }
0x75: {  	v31 =	vsub.f32 $0.0e+00, v24;
	v33 =	vsub.f32 $0.0e+00, v27;
	v32 =	vmul.f32 $6.400000000e+01, v23  }
0x76: {  	v34 =	vsub.f32 $0.0e+00, v25;
	v36 =	vmul.f32 $6.400000000e+01, v22;
	v37 =	vsub.f32 v37, v39  }
0x77: {  	vm0 =	veq.s32 v38, $0x1;
	v23 =	vsel vm5, v31, v24;
	v31 =	vsub.f32 $0.0e+00, v26  }
0x78: {  	v22 =	vsel vm0, v34, v25;
	v25 =	vand.u32 $0x7FFFFFFF, v23;
	v24 =	vsub.f32 $0.0e+00, v37  }
0x79: {  	v36 =	vmin.f32 v36, $1.087000000e+03;
	v27 =	vsel vm3, v33, v27;
	v34 =	vand.u32 $0x7FFFFFFF, v22  }
0x7a: {  	v29 =	vmul.f32 $6.400000000e+01, v29;
	v33 =	vmul.f32 $6.400000000e+01, v34;
	v24 =	vsel vm2, v24, v37  }
0x7b: {  	v25 =	vmul.f32 $6.400000000e+01, v25;
	v39 =	vmin.f32 v32, $1.087000000e+03;
	v34 =	vtrunc.f32 v36  }
0x7c: {  	v37 =	vand.u32 $0x7FFFFFFF, v27;
	v27 =	vmax.f32 v27, $0.0e+00;
	v32 =	vand.u32 $0x7FFFFFFF, v24  }
0x7d: {  	v45 =	vmin.f32 v29, $1.087000000e+03;
	v29 =	vtrunc.f32 v39;
	v33 =	vmin.f32 v33, $1.087000000e+03  }
0x7e: {  	vm0 =	veq.s32 v35, $0xFFFFFFFF;
	v38 =	vtrunc.f32 v33;
	v32 =	vmul.f32 $6.400000000e+01, v32  }
0x7f: {  	v48 =	vmin.f32 v25, $1.087000000e+03;
	v25 =	vcvt.f32.s32 v29;
	v35 =	vcvt.f32.s32 v38  }
0x80: {  	v26 =	vsel vm1, v31, v26;
	v29 =	vmul.f32 $6.400000000e+01, v37;
	v51 =	vmin.f32 v32, $1.087000000e+03  }
0x81: {  	v38 =	vadd.s32 $0x1, v35;
	v32 =	vcvt.f32.s32 v34;
	v34 =	vand.u32 $0x7FFFFFFF, v26  }
0x82: {  	vm3 =	veq.s32 v40, $0xFFFFFFFF;
	v40 =	vmin.f32 v29, $1.087000000e+03;
	v37 =	vtrunc.f32 v51  }
0x83: {  	v42 =	vtrunc.f32 v45;
	vm1 =	veq.s32 v28, $0xFFFFFFFF;
	v29 =	vcvt.s32.f32 v35  }
0x84: {  	v44 =	vtrunc.f32 v40;
	v28 =	vcvt.s32.f32 v32;
	v43 =	vadd.s32 $0x1, v32  }
0x85: {  	v31 =	vsub.f32 v33, v29;
	v33 =	vmul.f32 $6.400000000e+01, v34;
	v46 =	vcvt.f32.s32 v37;
	v29 =	vld.idx.msk [tilespmem:v25+s3+$0x0], $0xffff  }
0x86: {  	v49 =	vadd.s32 $0x1, v25;
	v28 =	vsub.f32 v36, v28;
	v34 =	vld.idx.msk [tilespmem:v35+s3+$0x0], $0xffff;
	v35 =	vtrunc.f32 v48  }
0x87: {  	v53 =	vcvt.f32.s32 v44;
	v37 =	vmin.f32 v33, $1.087000000e+03;
	v33 =	vcvt.s32.f32 v25;
	v32 =	vld.idx.msk [tilespmem:v32+s3+$0x0], $0xffff  }
0x88: {  	vm2 =	veq.s32 v30, $0xFFFFFFFF;
	v56 =	vadd.s32 $0x1, v46;
	v55 =	vcvt.f32.s32 v35;
	v54 =	vld.idx.msk [tilespmem:v38+s3+$0x0], $0xffff  }
0x89: {  	v30 =	vcvt.s32.f32 v53;
	v58 =	vadd.s32 $0x1, v53;
	v57 =	vtrunc.f32 v37  }
0x8a: {  	v59 =	vcvt.f32.s32 v42;
	v60 =	vcvt.s32.f32 v46;
	v47 =	vadd.s32 $0x1, v55;
	v36 =	vld.idx.msk [tilespmem:v43+s3+$0x0], $0xffff  }
0x8b: {  	v30 =	vsub.f32 v40, v30;
	v25 =	vsel vm3, $0x0, v1;
	v61 =	vcvt.s32.f32 v55;
	v38 =	vld.idx.msk [tilespmem:v49+s3+$0x0], $0xffff  }
0x8c: {  	v9 =	vadd.f32 v25, v9;
	v35 =	vsub.f32 v39, v33;
	v44 =	vld.idx.msk [tilespmem:v46+s3+$0x0], $0xffff  }
.Ltmp0:
0x8d: {  	v50 =	vadd.s32 $0x1, v59;
	v39 =	vcvt.s32.f32 v59;
	v33 =	vmax.f32 v41, $0.0e+00;
	v42 =	vld.idx.msk [tilespmem:v53+s3+$0x0], $0xffff;
	(pc) =	sbr.rel @p0 .LBB2_1-.Ltmp0, $4  }
0x8e: {  	v33 =	vadd.f32 v33, v29;
	v49 =	vcvt.f32.s32 v57;
	v43 =	vsub.f32 v54, v34;
	v46 =	vld.idx.msk [tilespmem:v55+s3+$0x0], $0xffff  }
0x8f: {  	v39 =	vsub.f32 v45, v39;
	v41 =	vsub.f32 v48, v61;
	v48 =	vld.idx.msk [tilespmem:v58+s3+$0x0], $0xffff  }
0x90: {  	v15 =	vadd.f32 v8, v15;
	v40 =	vsub.f32 v51, v60;
	v51 =	vld.idx.msk [tilespmem:v56+s3+$0x0], $0xffff  }
0x91: {  	v10 =	vadd.f32 v3, v10;
	v52 =	vmax.f32 v52, $0.0e+00;
	v45 =	vld.idx.msk [tilespmem:v59+s3+$0x0], $0xffff  }
0x92: {  	_ =	sdelay $0x3  }
0x93: {  	v47 =	vld.idx.msk [tilespmem:v47+s3+$0x0], $0xffff  }
0x94: {  	v53 =	vadd.s32 $0x1, v49;
	v50 =	vld.idx.msk [tilespmem:v50+s3+$0x0], $0xffff;
	v23 =	vmax.f32 v23, $0.0e+00  }
0x95: {  	v52 =	vadd.f32 v52, v32;
	v54 =	vcvt.s32.f32 v49;
	v27 =	vadd.f32 v27, v42  }
0x96: {  	v24 =	vmax.f32 v24, $0.0e+00;
	v22 =	vmax.f32 v22, $0.0e+00;
	v29 =	vsub.f32 v38, v29  }
0x97: {  	v31 =	vmul.f32 v31, v43;
	v9 =	vadd.f32 v9, v15;
	v23 =	vadd.f32 v23, v46  }
0x98: {  	v57 =	vld.idx.msk [tilespmem:v49+s3+$0x0], $0xffff;
	v21 =	vmax.f32 v21, $0.0e+00;
	v24 =	vadd.f32 v24, v44;
	v59 =	vsub.f32 v47, v46  }
0x99: {  	v26 =	vmax.f32 v26, $0.0e+00;
	v22 =	vadd.f32 v22, v34;
	v60 =	vld.idx.msk [tilespmem:v53+s3+$0x0], $0xffff;
	v61 =	vsub.f32 v50, v45  }
0x9a: {  	v37 =	vsub.f32 v37, v54;
	v62 =	vsub.f32 v48, v42;
	v41 =	vmul.f32 v41, v59  }
0x9b: {  	v22 =	vadd.f32 v31, v22;
	v21 =	vadd.f32 v21, v45;
	v63 =	vmul.f32 v39, v61  }
0x9c: {  	v49 =	vmul.f32 v35, v29;
	v39 =	vsub.f32 v36, v32;
	v23 =	vadd.f32 v41, v23  }
0x9d: {  	v2 =	vadd.f32 v2, v9;
	v8 =	vmul.f32 v22, v8;
	v21 =	vadd.f32 v63, v21  }
0x9e: {  	v41 =	vmul.f32 v28, v39;
	v43 =	vsub.f32 v60, v57;
	v23 =	vmul.f32 v23, v25  }
0x9f: {  	v45 =	vadd.f32 v26, v57;
	v8 =	vadd.f32 v8, v19;
	v4 =	vmul.f32 v21, v4  }
0xa0: {  	v46 =	vadd.f32 v41, v52;
	v47 =	vmul.f32 v37, v43;
	v20 =	vadd.f32 v23, v20  }
0xa1: {  	v58 =	vsub.f32 v51, v44;
	v51 =	vmul.f32 v30, v62;
	v4 =	vadd.f32 v4, v18  }
0xa2: {  	v6 =	vmul.f32 v46, v6;
	v50 =	vadd.f32 v47, v45;
	v8 =	vadd.f32 v20, v8  }
0xa3: {  	v2 =	vadd.f32 v5, v2;
	v48 =	vmul.f32 v40, v58;
	v52 =	vadd.f32 v49, v33  }
0xa4: {  	v6 =	vadd.f32 v6, v17;
	v3 =	vmul.f32 v50, v3;
	v4 =	vadd.f32 v4, v8  }
0xa5: {  	v53 =	vsel vm0, $0x0, v1;
	v2 =	vadd.f32 v10, v2;
	v54 =	vadd.f32 v48, v24  }
0xa6: {  	v55 =	vmul.f32 v52, v53;
	v3 =	vadd.f32 v3, v16;
	v4 =	vadd.f32 v6, v4  }
0xa7: {  	v56 =	vsel vm2, $0x0, v1;
	v57 =	vadd.f32 v51, v27;
	v60 =	vadd.f32 v53, v12  }
0xa8: {  	v58 =	vmul.f32 v54, v56;
	v9 =	vadd.f32 v55, v14;
	v3 =	vadd.f32 v3, v4  }
0xa9: {  	v0 =	vadd.f32 v56, v0;
	v59 =	vsel vm1, $0x0, v1;
	v2 =	vadd.f32 v60, v2  }
0xaa: {  	v5 =	vadd.f32 v58, v13;
	v61 =	vmul.f32 v57, v59;
	v3 =	vadd.f32 v9, v3  }
0xab: {  	v1 =	vadd.f32 v59, v7;
	v0 =	vadd.f32 v0, v2  }
0xac: {  	v62 =	vadd.f32 v61, v11;
	v3 =	vadd.f32 v5, v3  }
0xad: {  	v0 =	vadd.f32 v1, v0  }
0xae: {  	v63 =	vadd.f32 v62, v3  }
0xaf: {  	s31 =	sshll.u32 s2, $0x5;
	[tilespmem:$0x3500] =	vst v0  }
0xb0: {  	s6 =	simm.s32 $0x3480;
	s5 =	sadd.s32 s4, s31;
	s3 =	simm.s32 $0x0;
	[tilespmem:$0x3480] =	vst v63  }
0xb1: {  	[hbm4b:s5+s3] =	stream.linear.scatter [tilespmem:s6], [sflag:$0x5], $0x100, $0x38;
	[tilespmem:$0x4600] =	vst v63  }
0xb2: {  	s5 =	simm.s32 $0x5  }
0xb3: {  	_ =	swait.ge [sflag:s5], $0x100  }
0xb4: {  	[sflag:s5] =	ssyncset.done $0x0  }
0xb5: {  	[sflag:s5] =	ssyncadd.s32 $0xFFFFFF00  }
0xb6: {  	p0 =	sne.s32 s2, $0x0;
	[bflag:$0x0] =	sbarrier.arrive $0xFFFF  }
0xb7: {  	_ =	sfence.sel @p0 $0x180000  }
0xb8: {  	[bflag:$0x0] =	sbarrier.arrive @p0 $0xFFFF  }
0xb9: {  	_ =	strace @p0 $0x90000047  }
0xba: {  	[bflag:$0x2] =	sbarrier.arrive @p0 $0xFFFF  }
0xbb: {  	_ =	shalt @p0  }
.LBB2_3:
0xbc: {  	s2 =	simm.s32 $0x3580  }
0xbd: {  	[tilespmem:s2], [sflag:$0x5] =	stream.linear.gather [hbm4b:s4+s3], $0x1000, $0x38;
	[tilespmem:$0x4600] =	vst v63  }
0xbe: {  	_ =	swait.ge [sflag:s5], $0x1000  }
0xbf: {  	[sflag:s5] =	ssyncset.done $0x0  }
0xc0: {  	[sflag:s5] =	ssyncadd.s32 $0xFFFFF000  }
0xc1: {  	v0 =	vld [tilespmem:$0x3580]  }
0xc2: {  	v1 =	vld [tilespmem:$0x3600]  }
0xc3: {  	v2 =	vld [tilespmem:$0x3680]  }
0xc4: {  	v3 =	vld [tilespmem:$0x3700]  }
0xc5: {  	v4 =	vld [tilespmem:$0x3780]  }
0xc6: {  	v5 =	vld [tilespmem:$0x3800]  }
0xc7: {  	v6 =	vld [tilespmem:$0x3880]  }
0xc8: {  	v38 =	vld [tilespmem:$0x3900];
	v0 =	vadd.f32 v2, v0  }
0xc9: {  	v39 =	vld [tilespmem:$0x3980];
	v1 =	vadd.f32 v3, v1  }
0xca: {  	v40 =	vld [tilespmem:$0x3A00];
	v0 =	vadd.f32 v4, v0  }
0xcb: {  	v41 =	vld [tilespmem:$0x3A80];
	v1 =	vadd.f32 v5, v1  }
0xcc: {  	v42 =	vld [tilespmem:$0x3B00];
	v0 =	vadd.f32 v6, v0  }
0xcd: {  	v43 =	vld [tilespmem:$0x3B80];
	v1 =	vadd.f32 v38, v1  }
0xce: {  	v44 =	vld [tilespmem:$0x3C00];
	v0 =	vadd.f32 v39, v0  }
0xcf: {  	v45 =	vld [tilespmem:$0x3C80];
	v1 =	vadd.f32 v40, v1  }
0xd0: {  	v46 =	vld [tilespmem:$0x3D00];
	v0 =	vadd.f32 v41, v0  }
0xd1: {  	v47 =	vld [tilespmem:$0x3D80];
	v1 =	vadd.f32 v42, v1  }
0xd2: {  	v48 =	vld [tilespmem:$0x3E00];
	v0 =	vadd.f32 v43, v0  }
0xd3: {  	v49 =	vld [tilespmem:$0x3E80];
	v1 =	vadd.f32 v44, v1  }
0xd4: {  	v50 =	vld [tilespmem:$0x3F00];
	v0 =	vadd.f32 v45, v0  }
0xd5: {  	v51 =	vld [tilespmem:$0x3F80];
	v1 =	vadd.f32 v46, v1  }
0xd6: {  	v52 =	vld [tilespmem:$0x4000];
	v0 =	vadd.f32 v47, v0  }
0xd7: {  	v53 =	vld [tilespmem:$0x4080];
	v1 =	vadd.f32 v48, v1  }
0xd8: {  	v54 =	vld [tilespmem:$0x4100];
	v0 =	vadd.f32 v49, v0  }
0xd9: {  	v55 =	vld [tilespmem:$0x4180];
	v1 =	vadd.f32 v50, v1  }
0xda: {  	v56 =	vld [tilespmem:$0x4200];
	v0 =	vadd.f32 v51, v0  }
0xdb: {  	v57 =	vld [tilespmem:$0x4280];
	v1 =	vadd.f32 v52, v1  }
0xdc: {  	v58 =	vld [tilespmem:$0x4300];
	v0 =	vadd.f32 v53, v0  }
0xdd: {  	v59 =	vld [tilespmem:$0x4380];
	v1 =	vadd.f32 v54, v1  }
0xde: {  	v60 =	vld [tilespmem:$0x4400];
	v0 =	vadd.f32 v55, v0  }
0xdf: {  	v61 =	vld [tilespmem:$0x4480];
	v1 =	vadd.f32 v56, v1  }
0xe0: {  	v62 =	vld [tilespmem:$0x4500];
	v0 =	vadd.f32 v57, v0  }
0xe1: {  	v1 =	vadd.f32 v58, v1  }
0xe2: {  	v0 =	vadd.f32 v59, v0  }
0xe3: {  	v1 =	vadd.f32 v60, v1  }
0xe4: {  	v0 =	vadd.f32 v61, v0  }
0xe5: {  	v1 =	vadd.f32 v62, v1  }
0xe6: {  	(xrf2) =	vadd.scan.msk.f32 $0xffff, v0  }
0xe7: {  	(xrf2) =	vadd.scan.msk.f32 $0xffff, v1;
	_ =	sdelay $0x8  }
0xe8: {  	v0, _, _ =	vpop (xrf2)  }
0xe9: {  	v1, _, _ =	vpop (xrf2)  }
0xea: {  	v1 =	vmax.f32 v1, $1.000000000e+00  }
0xeb: {  	v1 =	vbroadcast v1, $0xF;
	_ =	sdelay $0x1  }
0xec: {  	(erf) = vrcp.f32 v1;
	_ =	sdelay $0x8  }
0xed: {  	v63 =	vpop (erf)  }
0xee: {  	v1 =	vmul.f32 v63, v1;
	_ =	sdelay $0x1  }
0xef: {  	v1 =	vsub.f32 $2.000000000e+00, v1;
	_ =	sdelay $0x1  }
0xf0: {  	v0 =	vbroadcast v0, $0xF;
	v1 =	vmul.f32 v1, v63;
	_ =	sdelay $0x1  }
0xf1: {  	v0 =	vmul.f32 v1, v0;
	_ =	sdelay $0x1  }
0xf2: {  	s31 =	simm.s32 $0x4580;
	[tilespmem:$0x4580] =	vst v0  }
0xf3: {  	[hbm4b:s1+s3] =	stream.linear.scatter [tilespmem:s31], [sflag:$0x5], $0x80, $0x38;
	[tilespmem:$0x4600] =	vst v63  }
0xf4: {  	_ =	swait.ge [sflag:s5], $0x80  }
0xf5: {  	[sflag:s5] =	ssyncset.done $0x0  }
0xf6: {  	[sflag:s5] =	ssyncadd.s32 $0xFFFFFF80  }
0xf7: {  	_ =	sfence.sel $0x180000  }
0xf8: {  	[bflag:$0x0] =	sbarrier.arrive $0xFFFF  }
0xf9: {  	_ =	strace $0x90000047  }
0xfa: {  	s0 =	sadd.s32 $0x100000, s0;
	[bflag:$0x2] =	sbarrier.arrive $0xFFFF  }
0xfb: {  	[sflag:s0] =	ssyncadd.tile.s32 $0x1;
	_ =	shalt  }
.Lfunc_end2:
_tile_overlayer_lowered:
.L_overlay_start_2:
0xfc: {  	(tag) =	ssettag $0x2  }
0xfd: {  	s0 =	rddreg [dreg:$0x0];
	s2 =	stileid.u32  }
0xfe: {  	s1 =	rddreg [dreg:$0x1];
	p0 =	sne.s32 s2, $0x0  }
0xff: {  	s3 =	rddreg [dreg:$0x2];
	[bflag:$0x3] =	sbarrier.arrive $0xFFFF;
	s2 =	simm.s32 @!p0 $0x1C05  }
0x100: {  	[timem:s3], [sflag:s2] =	dma.local @!p0 [hbm:s0], s1  }
0x101: {  	s0 =	simm.s32 @!p0 $0x5  }
0x102: {  	_ =	swait.ge @!p0 [sflag:s0], s1  }
0x103: {  	s1 =	ssub.s32 @!p0 $0x0, s1;
	[sflag:s0] =	ssyncset.done @!p0 $0x0  }
0x104: {  	[sflag:s0] =	ssyncadd.s32 @!p0 s1  }
0x105: {  	[bflag:$0x3] =	sbarrier.arrive $0xFFFF  }
0x106: {  	_ =	shalt  }

</sc_bundles>
